<compile_context>
chip_gen: v7x
topology: tpu7x:2x2x1
jax: 0.10.2.dev20260603
libtpu: 0.0.44.dev20260713+nightly
codegen_flags: <defaults>
</compile_context>

<pallas_src>
import functools

import jax
import jax.numpy as jnp
from jax import lax
from jax.experimental import pallas as pl
from jax.experimental.pallas import tpu as pltpu
from jax.experimental.pallas import tpu_sc as plsc

_EMBED = 100
_DPAD = 128
_PROJ = 200
_B = 4096
_L = 50
_NC = 2
_NS = 16
_NW = _NC * _NS
_CHUNK = 128
_BC = 4096
_VPAD = 401408
_BN = 2048


def _format(tableT):
    grid = _VPAD // _BC

    def body(x_ref, o_ref):
        xt = x_ref[...].T
        pad = jnp.zeros((_BC, _DPAD - _EMBED - 1), jnp.float32)
        one = jnp.ones((_BC, 1), jnp.float32)
        o_ref[...] = jnp.concatenate([xt, pad, one], axis=1)

    return pl.pallas_call(
        body,
        grid=(grid,),
        in_specs=[pl.BlockSpec((_EMBED, _BC), lambda i: (0, i))],
        out_specs=pl.BlockSpec((_BC, _DPAD), lambda i: (i, 0)),
        out_shape=jax.ShapeDtypeStruct((_VPAD, _DPAD), jnp.float32),
    )(tableT)


def _gather_rows(table, idx_flat):
    n = idx_flat.shape[0]
    d = table.shape[1]
    n_per_w = n // _NW
    steps = n_per_w // _CHUNK
    npairs = steps // 2
    mesh = plsc.VectorSubcoreMesh(core_axis_name="c", subcore_axis_name="s")

    @functools.partial(
        pl.kernel,
        out_type=jax.ShapeDtypeStruct((n, d), table.dtype),
        mesh=mesh,
        scratch_types=[
            pltpu.VMEM((n_per_w,), jnp.int32),
            pltpu.VMEM((_CHUNK, d), jnp.float32),
            pltpu.VMEM((_CHUNK, d), jnp.float32),
            pltpu.SemaphoreType.DMA,
            pltpu.SemaphoreType.DMA,
        ],
    )
    def k(table_hbm, idx_hbm, out_hbm, idx_v, rows0, rows1, sem0, sem1):
        wid = lax.axis_index("s") * _NC + lax.axis_index("c")
        base = wid * n_per_w
        pltpu.sync_copy(idx_hbm.at[pl.ds(base, n_per_w)], idx_v)

        def gth(j, buf, sem):
            return pltpu.make_async_copy(
                table_hbm.at[idx_v.at[pl.ds(j * _CHUNK, _CHUNK)]], buf, sem
            )

        gth(0, rows0, sem0).start()

        def body(jj, carry):
            j0 = jj * 2
            j1 = j0 + 1
            gth(j1, rows1, sem1).start()
            gth(j0, rows0, sem0).wait()
            pltpu.sync_copy(rows0, out_hbm.at[pl.ds(base + j0 * _CHUNK, _CHUNK)])

            @pl.when(jj + 1 < npairs)
            def _():
                gth(j0 + 2, rows0, sem0).start()

            gth(j1, rows1, sem1).wait()
            pltpu.sync_copy(rows1, out_hbm.at[pl.ds(base + j1 * _CHUNK, _CHUNK)])
            return carry

        lax.fori_loop(0, npairs, body, 0)

        if steps % 2:
            j = steps - 1
            gth(j, rows0, sem0).start()
            gth(j, rows0, sem0).wait()
            pltpu.sync_copy(rows0, out_hbm.at[pl.ds(base + j * _CHUNK, _CHUNK)])

    return k(table, idx_flat)


def _project_half(rows, W_aug, l_base, prev=None):
    nl = rows.shape[0] // _B
    nb = _B // _BN

    def body(x_ref, w_ref, *rest):
        o_ref = rest[-1]
        acc = lax.dot_general(
            w_ref[...], x_ref[...],
            (((0,), (1,)), ((), ())),
            preferred_element_type=jnp.float32,
        )
        o_ref[...] = acc[None]

    in_specs = [
        pl.BlockSpec((_BN, _DPAD), lambda l, n: (l * nb + n, 0)),
        pl.BlockSpec((_DPAD, _PROJ), lambda l, n: (0, 0)),
    ]
    args = [rows, W_aug]
    aliases = {}
    if prev is not None:
        in_specs.append(pl.BlockSpec(memory_space=pl.ANY))
        args.append(prev)
        aliases = {2: 0}

    return pl.pallas_call(
        body,
        grid=(nl, nb),
        in_specs=in_specs,
        out_specs=pl.BlockSpec(
            (1, _PROJ, _BN), lambda l, n, l_base=l_base: (l + l_base, 0, n)
        ),
        out_shape=jax.ShapeDtypeStruct((_L, _PROJ, _B), jnp.float32),
        input_output_aliases=aliases,
    )(*args)


def _chain(tableRM, W_aug, idx):
    half = idx.shape[0] // 2
    g1 = _gather_rows(tableRM, idx[:half])
    g2 = _gather_rows(tableRM, idx[half:])
    o1 = _project_half(g1, W_aug, 0)
    o2 = _project_half(g2, W_aug, _L // 2, prev=o1)
    return o2.transpose(2, 0, 1)


def kernel(premise_w_data, premise_w_lens, hyp_w_data, hyp_w_lens, tag_b, table, W, b):
    tableRM = _format(table.T)
    W_aug = jnp.concatenate(
        [W, jnp.zeros((_DPAD - _EMBED - 1, _PROJ), jnp.float32), b[None, :]], axis=0
    )
    p_idx = premise_w_data.T.reshape(-1).astype(jnp.int32)
    h_idx = hyp_w_data.T.reshape(-1).astype(jnp.int32)
    p_out = _chain(tableRM, W_aug, p_idx)
    h_out = _chain(tableRM, W_aug, h_idx)
    return (p_out, h_out)

# --- scband reference (transcript-rebuilt; emitter-appended) ---
"""Pipeline reference for scband-tagger-63453846831544 (READ-ONLY COPY).

The authoritative reference and input builder live on the scoring server;
editing this copy changes nothing except your own understanding.
"""

import jax, jax.numpy as jnp
import numpy as np

VOCAB = 400002  # GloVe 6B vectors (400000) + 2 padding rows appended in __init__
EMBED = 100
PROJ = 200
B = 4096
L = 50


def setup_inputs(seed: int = 0) -> dict:
    key = jax.random.key(seed)
    k1, k2, k3, k4, k5, k6, k7 = jax.random.split(key, 7)
    table = jax.random.normal(k1, (VOCAB, EMBED), dtype=jnp.float32) * 0.1
    # last two rows are the zero padding rows concatenated in the torch __init__
    table = table.at[VOCAB - 2:].set(0.0)
    W = jax.random.normal(k2, (EMBED, PROJ), dtype=jnp.float32) * 0.02
    b = jnp.zeros((PROJ,), dtype=jnp.float32)
    premise_w_data = jax.random.randint(k3, (B, L), 0, VOCAB, dtype=jnp.int64) if jax.config.jax_enable_x64 else jax.random.randint(k3, (B, L), 0, VOCAB).astype(jnp.int32)
    hyp_w_data = jax.random.randint(k4, (B, L), 0, VOCAB, dtype=jnp.int64) if jax.config.jax_enable_x64 else jax.random.randint(k4, (B, L), 0, VOCAB).astype(jnp.int32)
    premise_w_lens = jax.random.randint(k5, (B,), 0, 50).astype(jnp.int32)
    hyp_w_lens = jax.random.randint(k6, (B,), 0, 50).astype(jnp.int32)
    tag_b = jax.random.randint(k7, (B,), 0, 3).astype(jnp.int32)
    return {
        'premise_w_data': premise_w_data,
        'premise_w_lens': premise_w_lens,
        'hyp_w_data': hyp_w_data,
        'hyp_w_lens': hyp_w_lens,
        'tag_b': tag_b,
        'table': table,
        'W': W,
        'b': b,
    }


def reference(premise_w_data, premise_w_lens, hyp_w_data, hyp_w_lens, tag_b, table, W, b):
    # prem_w_e = self.wembeddings(padded_premise_w)
    prem_w_e = jnp.take(table, premise_w_data, axis=0)
    # hyp_w_e = self.wembeddings(padded_hyp_w)
    hyp_w_e = jnp.take(table, hyp_w_data, axis=0)
    # prem_w_e = self.project(prem_w_e); hyp_w_e = self.project(hyp_w_e)
    prem_w_e = prem_w_e @ W + b
    hyp_w_e = hyp_w_e @ W + b
    return (prem_w_e, hyp_w_e)

if __name__ == "__main__":
    import jax
    _d = setup_inputs()
    print(jax.jit(kernel)(*tuple(_d.values())))

</pallas_src>

<mosaic_0001>
#map = affine_map<(d0, d1) -> (0, 0)>
#map1 = affine_map<(d0, d1) -> (0)>
module attributes {stable_mosaic.version = 14 : i64} {
  func.func @k(%arg0: i32, %arg1: i32, %arg2: memref<401408x128xf32, #tpu.memory_space<hbm>>, %arg3: memref<102400xi32, #tpu.memory_space<hbm>>, %arg4: memref<102400x128xf32, #tpu.memory_space<hbm>>, %arg5: memref<3200xi32, #tpu.memory_space<vmem>>, %arg6: memref<128x128xf32, #tpu.memory_space<vmem>>, %arg7: memref<128x128xf32, #tpu.memory_space<vmem>>, %arg8: memref<!tpu.dma_semaphore, #tpu.memory_space<semaphore_mem>>, %arg9: memref<!tpu.dma_semaphore, #tpu.memory_space<semaphore_mem>>) attributes {dimension_semantics = [#tpu.dimension_semantics<core_parallel>, #tpu.dimension_semantics<subcore_parallel>], iteration_bounds = array<i64: 2, 16>, scalar_prefetch = 0 : i64, scratch_operands = 5 : i64, tpu.core_type = #tpu.core_type<sc_vector_subcore>, window_params = [{transform_indices = #map}, {transform_indices = #map1}, {transform_indices = #map}]} {
    %mul3A = arith.constant 2 : i32
    %mul3A_0 = arith.muli %arg1, %mul3A : i32
    %add3A = arith.addi %mul3A_0, %arg0 : i32
    %mul3A_1 = arith.constant 3200 : i32
    %mul3A_2 = arith.muli %add3A, %mul3A_1 : i32
    "tpu.region"() ({
      %run_scoped3A = tpu.sem_alloc : memref<!tpu.dma_semaphore, #tpu.memory_space<semaphore_mem>>
      %dma_start3A_23 = tpu.memref_slice %arg3[%mul3A_2] : memref<102400xi32, #tpu.memory_space<hbm>> -> memref<3200xi32, #tpu.memory_space<hbm>>
      %dma_start3A_24 = tpu.memref_slice %arg3[%mul3A_2] : memref<102400xi32, #tpu.memory_space<hbm>> -> memref<3200xi32, #tpu.memory_space<hbm>>
      tpu.enqueue_dma source(%dma_start3A_24 : memref<3200xi32, #tpu.memory_space<hbm>>) target(%arg5 : memref<3200xi32, #tpu.memory_space<vmem>>) target_semaphore(%run_scoped3A : memref<!tpu.dma_semaphore, #tpu.memory_space<semaphore_mem>>)
      %dma_wait3A_25 = tpu.memref_slice %arg3[%mul3A_2] : memref<102400xi32, #tpu.memory_space<hbm>> -> memref<3200xi32, #tpu.memory_space<hbm>>
      %dma_wait3A_26 = tpu.memref_slice %arg3[%mul3A_2] : memref<102400xi32, #tpu.memory_space<hbm>> -> memref<3200xi32, #tpu.memory_space<hbm>>
      tpu.wait_dma2 semaphore(%run_scoped3A : memref<!tpu.dma_semaphore, #tpu.memory_space<semaphore_mem>>) src(%dma_wait3A_26 : memref<3200xi32, #tpu.memory_space<hbm>>) dst(%arg5 : memref<3200xi32, #tpu.memory_space<vmem>>)
      tpu.yield
    }) : () -> ()
    %dma_start3A = arith.constant 0 : i32
    %dma_start3A_3 = tpu.memref_slice %arg5[%dma_start3A] : memref<3200xi32, #tpu.memory_space<vmem>> -> memref<128xi32, #tpu.memory_space<vmem>>
    %dma_start3A_4 = arith.constant 0 : i32
    %dma_start3A_5 = arith.constant 0 : i32
    %dma_start3A_6 = tpu.memref_slice %arg2[%dma_start3A_4, %dma_start3A_5] : memref<401408x128xf32, #tpu.memory_space<hbm>> -> memref<401408x128xf32, #tpu.memory_space<hbm>>
    tpu.enqueue_indirect_dma source(%dma_start3A_6 : memref<401408x128xf32, #tpu.memory_space<hbm>>) target(%arg6 : memref<128x128xf32, #tpu.memory_space<vmem>>) offsets(%dma_start3A_3 : memref<128xi32, #tpu.memory_space<vmem>>) semaphore(%arg8 : memref<!tpu.dma_semaphore, #tpu.memory_space<semaphore_mem>>)
    %scan3A = arith.constant 0 : i32
    %scan3A_7 = arith.constant 0 : i32
    %scan3A_8 = arith.constant 12 : i32
    %scan3A_9 = arith.addi %scan3A_7, %scan3A_8 : i32
    %scan3A_10 = arith.constant 1 : i32
    scf.for %scan3A_23 = %scan3A_7 to %scan3A_9 step %scan3A_10  : i32 {
      %mul3A_24 = arith.constant 2 : i32
      %mul3A_25 = arith.muli %scan3A_23, %mul3A_24 : i32
      %add3A_26 = arith.constant 1 : i32
      %add3A_27 = arith.addi %mul3A_25, %add3A_26 : i32
      %mul3A_28 = arith.constant 128 : i32
      %mul3A_29 = arith.muli %add3A_27, %mul3A_28 : i32
      %dma_start3A_30 = tpu.memref_slice %arg5[%mul3A_29] : memref<3200xi32, #tpu.memory_space<vmem>> -> memref<128xi32, #tpu.memory_space<vmem>>
      %dma_start3A_31 = arith.constant 0 : i32
      %dma_start3A_32 = arith.constant 0 : i32
      %dma_start3A_33 = tpu.memref_slice %arg2[%dma_start3A_31, %dma_start3A_32] : memref<401408x128xf32, #tpu.memory_space<hbm>> -> memref<401408x128xf32, #tpu.memory_space<hbm>>
      tpu.enqueue_indirect_dma source(%dma_start3A_33 : memref<401408x128xf32, #tpu.memory_space<hbm>>) target(%arg7 : memref<128x128xf32, #tpu.memory_space<vmem>>) offsets(%dma_start3A_30 : memref<128xi32, #tpu.memory_space<vmem>>) semaphore(%arg9 : memref<!tpu.dma_semaphore, #tpu.memory_space<semaphore_mem>>)
      %mul3A_34 = arith.constant 128 : i32
      %mul3A_35 = arith.muli %mul3A_25, %mul3A_34 : i32
      %dma_wait3A_36 = tpu.memref_slice %arg5[%mul3A_35] : memref<3200xi32, #tpu.memory_space<vmem>> -> memref<128xi32, #tpu.memory_space<vmem>>
      %dma_wait3A_37 = arith.constant 0 : i32
      %dma_wait3A_38 = arith.constant 0 : i32
      %dma_wait3A_39 = tpu.memref_slice %arg2[%dma_wait3A_37, %dma_wait3A_38] : memref<401408x128xf32, #tpu.memory_space<hbm>> -> memref<401408x128xf32, #tpu.memory_space<hbm>>
      tpu.wait_indirect_dma semaphore(%arg8 : memref<!tpu.dma_semaphore, #tpu.memory_space<semaphore_mem>>) src(%dma_wait3A_39 : memref<401408x128xf32, #tpu.memory_space<hbm>>) dst(%arg6 : memref<128x128xf32, #tpu.memory_space<vmem>>)
      %mul3A_40 = arith.constant 128 : i32
      %mul3A_41 = arith.muli %mul3A_25, %mul3A_40 : i32
      %add3A_42 = arith.addi %mul3A_2, %mul3A_41 : i32
      "tpu.region"() ({
        %run_scoped3A = tpu.sem_alloc : memref<!tpu.dma_semaphore, #tpu.memory_space<semaphore_mem>>
        %dma_start3A_56 = arith.constant 0 : i32
        %dma_start3A_57 = tpu.memref_slice %arg4[%add3A_42, %dma_start3A_56] : memref<102400x128xf32, #tpu.memory_space<hbm>> -> memref<128x128xf32, #tpu.memory_space<hbm>>
        %dma_start3A_58 = arith.constant 0 : i32
        %dma_start3A_59 = tpu.memref_slice %arg4[%add3A_42, %dma_start3A_58] : memref<102400x128xf32, #tpu.memory_space<hbm>> -> memref<128x128xf32, #tpu.memory_space<hbm>>
        tpu.enqueue_dma source(%arg6 : memref<128x128xf32, #tpu.memory_space<vmem>>) target(%dma_start3A_59 : memref<128x128xf32, #tpu.memory_space<hbm>>) target_semaphore(%run_scoped3A : memref<!tpu.dma_semaphore, #tpu.memory_space<semaphore_mem>>)
        %dma_wait3A_60 = arith.constant 0 : i32
        %dma_wait3A_61 = tpu.memref_slice %arg4[%add3A_42, %dma_wait3A_60] : memref<102400x128xf32, #tpu.memory_space<hbm>> -> memref<128x128xf32, #tpu.memory_space<hbm>>
        %dma_wait3A_62 = arith.constant 0 : i32
        %dma_wait3A_63 = tpu.memref_slice %arg4[%add3A_42, %dma_wait3A_62] : memref<102400x128xf32, #tpu.memory_space<hbm>> -> memref<128x128xf32, #tpu.memory_space<hbm>>
        tpu.wait_dma2 semaphore(%run_scoped3A : memref<!tpu.dma_semaphore, #tpu.memory_space<semaphore_mem>>) src(%arg6 : memref<128x128xf32, #tpu.memory_space<vmem>>) dst(%dma_wait3A_63 : memref<128x128xf32, #tpu.memory_space<hbm>>)
        tpu.yield
      }) : () -> ()
      %add3A_43 = arith.constant 1 : i32
      %add3A_44 = arith.addi %scan3A_23, %add3A_43 : i32
      %lt3A = arith.constant 12 : i32
      %lt3A_45 = arith.cmpi slt, %add3A_44, %lt3A : i32
      %convert_element_type3A = arith.extui %lt3A_45 : i1 to i32
      %cond3A = arith.constant 0 : i32
      %cond3A_46 = arith.cmpi ne, %convert_element_type3A, %cond3A : i32
      scf.if %cond3A_46 {
        %add3A_56 = arith.constant 2 : i32
        %add3A_57 = arith.addi %mul3A_25, %add3A_56 : i32
        %mul3A_58 = arith.constant 128 : i32
        %mul3A_59 = arith.muli %add3A_57, %mul3A_58 : i32
        %dma_start3A_60 = tpu.memref_slice %arg5[%mul3A_59] : memref<3200xi32, #tpu.memory_space<vmem>> -> memref<128xi32, #tpu.memory_space<vmem>>
        %dma_start3A_61 = arith.constant 0 : i32
        %dma_start3A_62 = arith.constant 0 : i32
        %dma_start3A_63 = tpu.memref_slice %arg2[%dma_start3A_61, %dma_start3A_62] : memref<401408x128xf32, #tpu.memory_space<hbm>> -> memref<401408x128xf32, #tpu.memory_space<hbm>>
        tpu.enqueue_indirect_dma source(%dma_start3A_63 : memref<401408x128xf32, #tpu.memory_space<hbm>>) target(%arg6 : memref<128x128xf32, #tpu.memory_space<vmem>>) offsets(%dma_start3A_60 : memref<128xi32, #tpu.memory_space<vmem>>) semaphore(%arg8 : memref<!tpu.dma_semaphore, #tpu.memory_space<semaphore_mem>>)
      } else {
      }
      %mul3A_47 = arith.constant 128 : i32
      %mul3A_48 = arith.muli %add3A_27, %mul3A_47 : i32
      %dma_wait3A_49 = tpu.memref_slice %arg5[%mul3A_48] : memref<3200xi32, #tpu.memory_space<vmem>> -> memref<128xi32, #tpu.memory_space<vmem>>
      %dma_wait3A_50 = arith.constant 0 : i32
      %dma_wait3A_51 = arith.constant 0 : i32
      %dma_wait3A_52 = tpu.memref_slice %arg2[%dma_wait3A_50, %dma_wait3A_51] : memref<401408x128xf32, #tpu.memory_space<hbm>> -> memref<401408x128xf32, #tpu.memory_space<hbm>>
      tpu.wait_indirect_dma semaphore(%arg9 : memref<!tpu.dma_semaphore, #tpu.memory_space<semaphore_mem>>) src(%dma_wait3A_52 : memref<401408x128xf32, #tpu.memory_space<hbm>>) dst(%arg7 : memref<128x128xf32, #tpu.memory_space<vmem>>)
      %mul3A_53 = arith.constant 128 : i32
      %mul3A_54 = arith.muli %add3A_27, %mul3A_53 : i32
      %add3A_55 = arith.addi %mul3A_2, %mul3A_54 : i32
      "tpu.region"() ({
        %run_scoped3A = tpu.sem_alloc : memref<!tpu.dma_semaphore, #tpu.memory_space<semaphore_mem>>
        %dma_start3A_56 = arith.constant 0 : i32
        %dma_start3A_57 = tpu.memref_slice %arg4[%add3A_55, %dma_start3A_56] : memref<102400x128xf32, #tpu.memory_space<hbm>> -> memref<128x128xf32, #tpu.memory_space<hbm>>
        %dma_start3A_58 = arith.constant 0 : i32
        %dma_start3A_59 = tpu.memref_slice %arg4[%add3A_55, %dma_start3A_58] : memref<102400x128xf32, #tpu.memory_space<hbm>> -> memref<128x128xf32, #tpu.memory_space<hbm>>
        tpu.enqueue_dma source(%arg7 : memref<128x128xf32, #tpu.memory_space<vmem>>) target(%dma_start3A_59 : memref<128x128xf32, #tpu.memory_space<hbm>>) target_semaphore(%run_scoped3A : memref<!tpu.dma_semaphore, #tpu.memory_space<semaphore_mem>>)
        %dma_wait3A_60 = arith.constant 0 : i32
        %dma_wait3A_61 = tpu.memref_slice %arg4[%add3A_55, %dma_wait3A_60] : memref<102400x128xf32, #tpu.memory_space<hbm>> -> memref<128x128xf32, #tpu.memory_space<hbm>>
        %dma_wait3A_62 = arith.constant 0 : i32
        %dma_wait3A_63 = tpu.memref_slice %arg4[%add3A_55, %dma_wait3A_62] : memref<102400x128xf32, #tpu.memory_space<hbm>> -> memref<128x128xf32, #tpu.memory_space<hbm>>
        tpu.wait_dma2 semaphore(%run_scoped3A : memref<!tpu.dma_semaphore, #tpu.memory_space<semaphore_mem>>) src(%arg7 : memref<128x128xf32, #tpu.memory_space<vmem>>) dst(%dma_wait3A_63 : memref<128x128xf32, #tpu.memory_space<hbm>>)
        tpu.yield
      }) : () -> ()
    }
    %scan3A_11 = arith.constant 12 : i32
    %dma_start3A_12 = arith.constant 3072 : i32
    %dma_start3A_13 = tpu.memref_slice %arg5[%dma_start3A_12] : memref<3200xi32, #tpu.memory_space<vmem>> -> memref<128xi32, #tpu.memory_space<vmem>>
    %dma_start3A_14 = arith.constant 0 : i32
    %dma_start3A_15 = arith.constant 0 : i32
    %dma_start3A_16 = tpu.memref_slice %arg2[%dma_start3A_14, %dma_start3A_15] : memref<401408x128xf32, #tpu.memory_space<hbm>> -> memref<401408x128xf32, #tpu.memory_space<hbm>>
    tpu.enqueue_indirect_dma source(%dma_start3A_16 : memref<401408x128xf32, #tpu.memory_space<hbm>>) target(%arg6 : memref<128x128xf32, #tpu.memory_space<vmem>>) offsets(%dma_start3A_13 : memref<128xi32, #tpu.memory_space<vmem>>) semaphore(%arg8 : memref<!tpu.dma_semaphore, #tpu.memory_space<semaphore_mem>>)
    %dma_wait3A = arith.constant 3072 : i32
    %dma_wait3A_17 = tpu.memref_slice %arg5[%dma_wait3A] : memref<3200xi32, #tpu.memory_space<vmem>> -> memref<128xi32, #tpu.memory_space<vmem>>
    %dma_wait3A_18 = arith.constant 0 : i32
    %dma_wait3A_19 = arith.constant 0 : i32
    %dma_wait3A_20 = tpu.memref_slice %arg2[%dma_wait3A_18, %dma_wait3A_19] : memref<401408x128xf32, #tpu.memory_space<hbm>> -> memref<401408x128xf32, #tpu.memory_space<hbm>>
    tpu.wait_indirect_dma semaphore(%arg8 : memref<!tpu.dma_semaphore, #tpu.memory_space<semaphore_mem>>) src(%dma_wait3A_20 : memref<401408x128xf32, #tpu.memory_space<hbm>>) dst(%arg6 : memref<128x128xf32, #tpu.memory_space<vmem>>)
    %add3A_21 = arith.constant 3072 : i32
    %add3A_22 = arith.addi %mul3A_2, %add3A_21 : i32
    "tpu.region"() ({
      %run_scoped3A = tpu.sem_alloc : memref<!tpu.dma_semaphore, #tpu.memory_space<semaphore_mem>>
      %dma_start3A_23 = arith.constant 0 : i32
      %dma_start3A_24 = tpu.memref_slice %arg4[%add3A_22, %dma_start3A_23] : memref<102400x128xf32, #tpu.memory_space<hbm>> -> memref<128x128xf32, #tpu.memory_space<hbm>>
      %dma_start3A_25 = arith.constant 0 : i32
      %dma_start3A_26 = tpu.memref_slice %arg4[%add3A_22, %dma_start3A_25] : memref<102400x128xf32, #tpu.memory_space<hbm>> -> memref<128x128xf32, #tpu.memory_space<hbm>>
      tpu.enqueue_dma source(%arg6 : memref<128x128xf32, #tpu.memory_space<vmem>>) target(%dma_start3A_26 : memref<128x128xf32, #tpu.memory_space<hbm>>) target_semaphore(%run_scoped3A : memref<!tpu.dma_semaphore, #tpu.memory_space<semaphore_mem>>)
      %dma_wait3A_27 = arith.constant 0 : i32
      %dma_wait3A_28 = tpu.memref_slice %arg4[%add3A_22, %dma_wait3A_27] : memref<102400x128xf32, #tpu.memory_space<hbm>> -> memref<128x128xf32, #tpu.memory_space<hbm>>
      %dma_wait3A_29 = arith.constant 0 : i32
      %dma_wait3A_30 = tpu.memref_slice %arg4[%add3A_22, %dma_wait3A_29] : memref<102400x128xf32, #tpu.memory_space<hbm>> -> memref<128x128xf32, #tpu.memory_space<hbm>>
      tpu.wait_dma2 semaphore(%run_scoped3A : memref<!tpu.dma_semaphore, #tpu.memory_space<semaphore_mem>>) src(%arg6 : memref<128x128xf32, #tpu.memory_space<vmem>>) dst(%dma_wait3A_30 : memref<128x128xf32, #tpu.memory_space<hbm>>)
      tpu.yield
    }) : () -> ()
    return
  }
}

#map = affine_map<(d0, d1) -> (0, 0)>
#map1 = affine_map<(d0, d1) -> (0)>
module attributes {stable_mosaic.version = 14 : i64} {
  func.func @k(%arg0: i32, %arg1: i32, %arg2: memref<401408x128xf32, #tpu.memory_space<hbm>>, %arg3: memref<102400xi32, #tpu.memory_space<hbm>>, %arg4: memref<102400x128xf32, #tpu.memory_space<hbm>>, %arg5: memref<3200xi32, #tpu.memory_space<vmem>>, %arg6: memref<128x128xf32, #tpu.memory_space<vmem>>, %arg7: memref<128x128xf32, #tpu.memory_space<vmem>>, %arg8: memref<!tpu.dma_semaphore, #tpu.memory_space<semaphore_mem>>, %arg9: memref<!tpu.dma_semaphore, #tpu.memory_space<semaphore_mem>>) attributes {dimension_semantics = [#tpu.dimension_semantics<core_parallel>, #tpu.dimension_semantics<subcore_parallel>], iteration_bounds = array<i64: 2, 16>, scalar_prefetch = 0 : i64, scratch_operands = 5 : i64, tpu.core_type = #tpu.core_type<sc_vector_subcore>, window_params = [{transform_indices = #map}, {transform_indices = #map1}, {transform_indices = #map}]} {
    %mul3A = arith.constant 2 : i32
    %mul3A_0 = arith.muli %arg1, %mul3A : i32
    %add3A = arith.addi %mul3A_0, %arg0 : i32
    %mul3A_1 = arith.constant 3200 : i32
    %mul3A_2 = arith.muli %add3A, %mul3A_1 : i32
    "tpu.region"() ({
      %run_scoped3A = tpu.sem_alloc : memref<!tpu.dma_semaphore, #tpu.memory_space<semaphore_mem>>
      %dma_start3A_23 = tpu.memref_slice %arg3[%mul3A_2] : memref<102400xi32, #tpu.memory_space<hbm>> -> memref<3200xi32, #tpu.memory_space<hbm>>
      %dma_start3A_24 = tpu.memref_slice %arg3[%mul3A_2] : memref<102400xi32, #tpu.memory_space<hbm>> -> memref<3200xi32, #tpu.memory_space<hbm>>
      tpu.enqueue_dma source(%dma_start3A_24 : memref<3200xi32, #tpu.memory_space<hbm>>) target(%arg5 : memref<3200xi32, #tpu.memory_space<vmem>>) target_semaphore(%run_scoped3A : memref<!tpu.dma_semaphore, #tpu.memory_space<semaphore_mem>>)
      %dma_wait3A_25 = tpu.memref_slice %arg3[%mul3A_2] : memref<102400xi32, #tpu.memory_space<hbm>> -> memref<3200xi32, #tpu.memory_space<hbm>>
      %dma_wait3A_26 = tpu.memref_slice %arg3[%mul3A_2] : memref<102400xi32, #tpu.memory_space<hbm>> -> memref<3200xi32, #tpu.memory_space<hbm>>
      tpu.wait_dma2 semaphore(%run_scoped3A : memref<!tpu.dma_semaphore, #tpu.memory_space<semaphore_mem>>) src(%dma_wait3A_26 : memref<3200xi32, #tpu.memory_space<hbm>>) dst(%arg5 : memref<3200xi32, #tpu.memory_space<vmem>>)
      tpu.yield
    }) : () -> ()
    %dma_start3A = arith.constant 0 : i32
    %dma_start3A_3 = tpu.memref_slice %arg5[%dma_start3A] : memref<3200xi32, #tpu.memory_space<vmem>> -> memref<128xi32, #tpu.memory_space<vmem>>
    %dma_start3A_4 = arith.constant 0 : i32
    %dma_start3A_5 = arith.constant 0 : i32
    %dma_start3A_6 = tpu.memref_slice %arg2[%dma_start3A_4, %dma_start3A_5] : memref<401408x128xf32, #tpu.memory_space<hbm>> -> memref<401408x128xf32, #tpu.memory_space<hbm>>
    tpu.enqueue_indirect_dma source(%dma_start3A_6 : memref<401408x128xf32, #tpu.memory_space<hbm>>) target(%arg6 : memref<128x128xf32, #tpu.memory_space<vmem>>) offsets(%dma_start3A_3 : memref<128xi32, #tpu.memory_space<vmem>>) semaphore(%arg8 : memref<!tpu.dma_semaphore, #tpu.memory_space<semaphore_mem>>)
    %scan3A = arith.constant 0 : i32
    %scan3A_7 = arith.constant 0 : i32
    %scan3A_8 = arith.constant 12 : i32
    %scan3A_9 = arith.addi %scan3A_7, %scan3A_8 : i32
    %scan3A_10 = arith.constant 1 : i32
    scf.for %scan3A_23 = %scan3A_7 to %scan3A_9 step %scan3A_10  : i32 {
      %mul3A_24 = arith.constant 2 : i32
      %mul3A_25 = arith.muli %scan3A_23, %mul3A_24 : i32
      %add3A_26 = arith.constant 1 : i32
      %add3A_27 = arith.addi %mul3A_25, %add3A_26 : i32
      %mul3A_28 = arith.constant 128 : i32
      %mul3A_29 = arith.muli %add3A_27, %mul3A_28 : i32
      %dma_start3A_30 = tpu.memref_slice %arg5[%mul3A_29] : memref<3200xi32, #tpu.memory_space<vmem>> -> memref<128xi32, #tpu.memory_space<vmem>>
      %dma_start3A_31 = arith.constant 0 : i32
      %dma_start3A_32 = arith.constant 0 : i32
      %dma_start3A_33 = tpu.memref_slice %arg2[%dma_start3A_31, %dma_start3A_32] : memref<401408x128xf32, #tpu.memory_space<hbm>> -> memref<401408x128xf32, #tpu.memory_space<hbm>>
      tpu.enqueue_indirect_dma source(%dma_start3A_33 : memref<401408x128xf32, #tpu.memory_space<hbm>>) target(%arg7 : memref<128x128xf32, #tpu.memory_space<vmem>>) offsets(%dma_start3A_30 : memref<128xi32, #tpu.memory_space<vmem>>) semaphore(%arg9 : memref<!tpu.dma_semaphore, #tpu.memory_space<semaphore_mem>>)
      %mul3A_34 = arith.constant 128 : i32
      %mul3A_35 = arith.muli %mul3A_25, %mul3A_34 : i32
      %dma_wait3A_36 = tpu.memref_slice %arg5[%mul3A_35] : memref<3200xi32, #tpu.memory_space<vmem>> -> memref<128xi32, #tpu.memory_space<vmem>>
      %dma_wait3A_37 = arith.constant 0 : i32
      %dma_wait3A_38 = arith.constant 0 : i32
      %dma_wait3A_39 = tpu.memref_slice %arg2[%dma_wait3A_37, %dma_wait3A_38] : memref<401408x128xf32, #tpu.memory_space<hbm>> -> memref<401408x128xf32, #tpu.memory_space<hbm>>
      tpu.wait_indirect_dma semaphore(%arg8 : memref<!tpu.dma_semaphore, #tpu.memory_space<semaphore_mem>>) src(%dma_wait3A_39 : memref<401408x128xf32, #tpu.memory_space<hbm>>) dst(%arg6 : memref<128x128xf32, #tpu.memory_space<vmem>>)
      %mul3A_40 = arith.constant 128 : i32
      %mul3A_41 = arith.muli %mul3A_25, %mul3A_40 : i32
      %add3A_42 = arith.addi %mul3A_2, %mul3A_41 : i32
      "tpu.region"() ({
        %run_scoped3A = tpu.sem_alloc : memref<!tpu.dma_semaphore, #tpu.memory_space<semaphore_mem>>
        %dma_start3A_56 = arith.constant 0 : i32
        %dma_start3A_57 = tpu.memref_slice %arg4[%add3A_42, %dma_start3A_56] : memref<102400x128xf32, #tpu.memory_space<hbm>> -> memref<128x128xf32, #tpu.memory_space<hbm>>
        %dma_start3A_58 = arith.constant 0 : i32
        %dma_start3A_59 = tpu.memref_slice %arg4[%add3A_42, %dma_start3A_58] : memref<102400x128xf32, #tpu.memory_space<hbm>> -> memref<128x128xf32, #tpu.memory_space<hbm>>
        tpu.enqueue_dma source(%arg6 : memref<128x128xf32, #tpu.memory_space<vmem>>) target(%dma_start3A_59 : memref<128x128xf32, #tpu.memory_space<hbm>>) target_semaphore(%run_scoped3A : memref<!tpu.dma_semaphore, #tpu.memory_space<semaphore_mem>>)
        %dma_wait3A_60 = arith.constant 0 : i32
        %dma_wait3A_61 = tpu.memref_slice %arg4[%add3A_42, %dma_wait3A_60] : memref<102400x128xf32, #tpu.memory_space<hbm>> -> memref<128x128xf32, #tpu.memory_space<hbm>>
        %dma_wait3A_62 = arith.constant 0 : i32
        %dma_wait3A_63 = tpu.memref_slice %arg4[%add3A_42, %dma_wait3A_62] : memref<102400x128xf32, #tpu.memory_space<hbm>> -> memref<128x128xf32, #tpu.memory_space<hbm>>
        tpu.wait_dma2 semaphore(%run_scoped3A : memref<!tpu.dma_semaphore, #tpu.memory_space<semaphore_mem>>) src(%arg6 : memref<128x128xf32, #tpu.memory_space<vmem>>) dst(%dma_wait3A_63 : memref<128x128xf32, #tpu.memory_space<hbm>>)
        tpu.yield
      }) : () -> ()
      %add3A_43 = arith.constant 1 : i32
      %add3A_44 = arith.addi %scan3A_23, %add3A_43 : i32
      %lt3A = arith.constant 12 : i32
      %lt3A_45 = arith.cmpi slt, %add3A_44, %lt3A : i32
      %convert_element_type3A = arith.extui %lt3A_45 : i1 to i32
      %cond3A = arith.constant 0 : i32
      %cond3A_46 = arith.cmpi ne, %convert_element_type3A, %cond3A : i32
      scf.if %cond3A_46 {
        %add3A_56 = arith.constant 2 : i32
        %add3A_57 = arith.addi %mul3A_25, %add3A_56 : i32
        %mul3A_58 = arith.constant 128 : i32
        %mul3A_59 = arith.muli %add3A_57, %mul3A_58 : i32
        %dma_start3A_60 = tpu.memref_slice %arg5[%mul3A_59] : memref<3200xi32, #tpu.memory_space<vmem>> -> memref<128xi32, #tpu.memory_space<vmem>>
        %dma_start3A_61 = arith.constant 0 : i32
        %dma_start3A_62 = arith.constant 0 : i32
        %dma_start3A_63 = tpu.memref_slice %arg2[%dma_start3A_61, %dma_start3A_62] : memref<401408x128xf32, #tpu.memory_space<hbm>> -> memref<401408x128xf32, #tpu.memory_space<hbm>>
        tpu.enqueue_indirect_dma source(%dma_start3A_63 : memref<401408x128xf32, #tpu.memory_space<hbm>>) target(%arg6 : memref<128x128xf32, #tpu.memory_space<vmem>>) offsets(%dma_start3A_60 : memref<128xi32, #tpu.memory_space<vmem>>) semaphore(%arg8 : memref<!tpu.dma_semaphore, #tpu.memory_space<semaphore_mem>>)
      } else {
      }
      %mul3A_47 = arith.constant 128 : i32
      %mul3A_48 = arith.muli %add3A_27, %mul3A_47 : i32
      %dma_wait3A_49 = tpu.memref_slice %arg5[%mul3A_48] : memref<3200xi32, #tpu.memory_space<vmem>> -> memref<128xi32, #tpu.memory_space<vmem>>
      %dma_wait3A_50 = arith.constant 0 : i32
      %dma_wait3A_51 = arith.constant 0 : i32
      %dma_wait3A_52 = tpu.memref_slice %arg2[%dma_wait3A_50, %dma_wait3A_51] : memref<401408x128xf32, #tpu.memory_space<hbm>> -> memref<401408x128xf32, #tpu.memory_space<hbm>>
      tpu.wait_indirect_dma semaphore(%arg9 : memref<!tpu.dma_semaphore, #tpu.memory_space<semaphore_mem>>) src(%dma_wait3A_52 : memref<401408x128xf32, #tpu.memory_space<hbm>>) dst(%arg7 : memref<128x128xf32, #tpu.memory_space<vmem>>)
      %mul3A_53 = arith.constant 128 : i32
      %mul3A_54 = arith.muli %add3A_27, %mul3A_53 : i32
      %add3A_55 = arith.addi %mul3A_2, %mul3A_54 : i32
      "tpu.region"() ({
        %run_scoped3A = tpu.sem_alloc : memref<!tpu.dma_semaphore, #tpu.memory_space<semaphore_mem>>
        %dma_start3A_56 = arith.constant 0 : i32
        %dma_start3A_57 = tpu.memref_slice %arg4[%add3A_55, %dma_start3A_56] : memref<102400x128xf32, #tpu.memory_space<hbm>> -> memref<128x128xf32, #tpu.memory_space<hbm>>
        %dma_start3A_58 = arith.constant 0 : i32
        %dma_start3A_59 = tpu.memref_slice %arg4[%add3A_55, %dma_start3A_58] : memref<102400x128xf32, #tpu.memory_space<hbm>> -> memref<128x128xf32, #tpu.memory_space<hbm>>
        tpu.enqueue_dma source(%arg7 : memref<128x128xf32, #tpu.memory_space<vmem>>) target(%dma_start3A_59 : memref<128x128xf32, #tpu.memory_space<hbm>>) target_semaphore(%run_scoped3A : memref<!tpu.dma_semaphore, #tpu.memory_space<semaphore_mem>>)
        %dma_wait3A_60 = arith.constant 0 : i32
        %dma_wait3A_61 = tpu.memref_slice %arg4[%add3A_55, %dma_wait3A_60] : memref<102400x128xf32, #tpu.memory_space<hbm>> -> memref<128x128xf32, #tpu.memory_space<hbm>>
        %dma_wait3A_62 = arith.constant 0 : i32
        %dma_wait3A_63 = tpu.memref_slice %arg4[%add3A_55, %dma_wait3A_62] : memref<102400x128xf32, #tpu.memory_space<hbm>> -> memref<128x128xf32, #tpu.memory_space<hbm>>
        tpu.wait_dma2 semaphore(%run_scoped3A : memref<!tpu.dma_semaphore, #tpu.memory_space<semaphore_mem>>) src(%arg7 : memref<128x128xf32, #tpu.memory_space<vmem>>) dst(%dma_wait3A_63 : memref<128x128xf32, #tpu.memory_space<hbm>>)
        tpu.yield
      }) : () -> ()
    }
    %scan3A_11 = arith.constant 12 : i32
    %dma_start3A_12 = arith.constant 3072 : i32
    %dma_start3A_13 = tpu.memref_slice %arg5[%dma_start3A_12] : memref<3200xi32, #tpu.memory_space<vmem>> -> memref<128xi32, #tpu.memory_space<vmem>>
    %dma_start3A_14 = arith.constant 0 : i32
    %dma_start3A_15 = arith.constant 0 : i32
    %dma_start3A_16 = tpu.memref_slice %arg2[%dma_start3A_14, %dma_start3A_15] : memref<401408x128xf32, #tpu.memory_space<hbm>> -> memref<401408x128xf32, #tpu.memory_space<hbm>>
    tpu.enqueue_indirect_dma source(%dma_start3A_16 : memref<401408x128xf32, #tpu.memory_space<hbm>>) target(%arg6 : memref<128x128xf32, #tpu.memory_space<vmem>>) offsets(%dma_start3A_13 : memref<128xi32, #tpu.memory_space<vmem>>) semaphore(%arg8 : memref<!tpu.dma_semaphore, #tpu.memory_space<semaphore_mem>>)
    %dma_wait3A = arith.constant 3072 : i32
    %dma_wait3A_17 = tpu.memref_slice %arg5[%dma_wait3A] : memref<3200xi32, #tpu.memory_space<vmem>> -> memref<128xi32, #tpu.memory_space<vmem>>
    %dma_wait3A_18 = arith.constant 0 : i32
    %dma_wait3A_19 = arith.constant 0 : i32
    %dma_wait3A_20 = tpu.memref_slice %arg2[%dma_wait3A_18, %dma_wait3A_19] : memref<401408x128xf32, #tpu.memory_space<hbm>> -> memref<401408x128xf32, #tpu.memory_space<hbm>>
    tpu.wait_indirect_dma semaphore(%arg8 : memref<!tpu.dma_semaphore, #tpu.memory_space<semaphore_mem>>) src(%dma_wait3A_20 : memref<401408x128xf32, #tpu.memory_space<hbm>>) dst(%arg6 : memref<128x128xf32, #tpu.memory_space<vmem>>)
    %add3A_21 = arith.constant 3072 : i32
    %add3A_22 = arith.addi %mul3A_2, %add3A_21 : i32
    "tpu.region"() ({
      %run_scoped3A = tpu.sem_alloc : memref<!tpu.dma_semaphore, #tpu.memory_space<semaphore_mem>>
      %dma_start3A_23 = arith.constant 0 : i32
      %dma_start3A_24 = tpu.memref_slice %arg4[%add3A_22, %dma_start3A_23] : memref<102400x128xf32, #tpu.memory_space<hbm>> -> memref<128x128xf32, #tpu.memory_space<hbm>>
      %dma_start3A_25 = arith.constant 0 : i32
      %dma_start3A_26 = tpu.memref_slice %arg4[%add3A_22, %dma_start3A_25] : memref<102400x128xf32, #tpu.memory_space<hbm>> -> memref<128x128xf32, #tpu.memory_space<hbm>>
      tpu.enqueue_dma source(%arg6 : memref<128x128xf32, #tpu.memory_space<vmem>>) target(%dma_start3A_26 : memref<128x128xf32, #tpu.memory_space<hbm>>) target_semaphore(%run_scoped3A : memref<!tpu.dma_semaphore, #tpu.memory_space<semaphore_mem>>)
      %dma_wait3A_27 = arith.constant 0 : i32
      %dma_wait3A_28 = tpu.memref_slice %arg4[%add3A_22, %dma_wait3A_27] : memref<102400x128xf32, #tpu.memory_space<hbm>> -> memref<128x128xf32, #tpu.memory_space<hbm>>
      %dma_wait3A_29 = arith.constant 0 : i32
      %dma_wait3A_30 = tpu.memref_slice %arg4[%add3A_22, %dma_wait3A_29] : memref<102400x128xf32, #tpu.memory_space<hbm>> -> memref<128x128xf32, #tpu.memory_space<hbm>>
      tpu.wait_dma2 semaphore(%run_scoped3A : memref<!tpu.dma_semaphore, #tpu.memory_space<semaphore_mem>>) src(%arg6 : memref<128x128xf32, #tpu.memory_space<vmem>>) dst(%dma_wait3A_30 : memref<128x128xf32, #tpu.memory_space<hbm>>)
      tpu.yield
    }) : () -> ()
    return
  }
}

#map = affine_map<(d0, d1) -> (0, 0)>
#map1 = affine_map<(d0, d1) -> (0)>
module attributes {stable_mosaic.version = 14 : i64} {
  func.func @k(%arg0: i32, %arg1: i32, %arg2: memref<401408x128xf32, #tpu.memory_space<hbm>>, %arg3: memref<102400xi32, #tpu.memory_space<hbm>>, %arg4: memref<102400x128xf32, #tpu.memory_space<hbm>>, %arg5: memref<3200xi32, #tpu.memory_space<vmem>>, %arg6: memref<128x128xf32, #tpu.memory_space<vmem>>, %arg7: memref<128x128xf32, #tpu.memory_space<vmem>>, %arg8: memref<!tpu.dma_semaphore, #tpu.memory_space<semaphore_mem>>, %arg9: memref<!tpu.dma_semaphore, #tpu.memory_space<semaphore_mem>>) attributes {dimension_semantics = [#tpu.dimension_semantics<core_parallel>, #tpu.dimension_semantics<subcore_parallel>], iteration_bounds = array<i64: 2, 16>, scalar_prefetch = 0 : i64, scratch_operands = 5 : i64, tpu.core_type = #tpu.core_type<sc_vector_subcore>, window_params = [{transform_indices = #map}, {transform_indices = #map1}, {transform_indices = #map}]} {
    %mul3A = arith.constant 2 : i32
    %mul3A_0 = arith.muli %arg1, %mul3A : i32
    %add3A = arith.addi %mul3A_0, %arg0 : i32
    %mul3A_1 = arith.constant 3200 : i32
    %mul3A_2 = arith.muli %add3A, %mul3A_1 : i32
    "tpu.region"() ({
      %run_scoped3A = tpu.sem_alloc : memref<!tpu.dma_semaphore, #tpu.memory_space<semaphore_mem>>
      %dma_start3A_23 = tpu.memref_slice %arg3[%mul3A_2] : memref<102400xi32, #tpu.memory_space<hbm>> -> memref<3200xi32, #tpu.memory_space<hbm>>
      %dma_start3A_24 = tpu.memref_slice %arg3[%mul3A_2] : memref<102400xi32, #tpu.memory_space<hbm>> -> memref<3200xi32, #tpu.memory_space<hbm>>
      tpu.enqueue_dma source(%dma_start3A_24 : memref<3200xi32, #tpu.memory_space<hbm>>) target(%arg5 : memref<3200xi32, #tpu.memory_space<vmem>>) target_semaphore(%run_scoped3A : memref<!tpu.dma_semaphore, #tpu.memory_space<semaphore_mem>>)
      %dma_wait3A_25 = tpu.memref_slice %arg3[%mul3A_2] : memref<102400xi32, #tpu.memory_space<hbm>> -> memref<3200xi32, #tpu.memory_space<hbm>>
      %dma_wait3A_26 = tpu.memref_slice %arg3[%mul3A_2] : memref<102400xi32, #tpu.memory_space<hbm>> -> memref<3200xi32, #tpu.memory_space<hbm>>
      tpu.wait_dma2 semaphore(%run_scoped3A : memref<!tpu.dma_semaphore, #tpu.memory_space<semaphore_mem>>) src(%dma_wait3A_26 : memref<3200xi32, #tpu.memory_space<hbm>>) dst(%arg5 : memref<3200xi32, #tpu.memory_space<vmem>>)
      tpu.yield
    }) : () -> ()
    %dma_start3A = arith.constant 0 : i32
    %dma_start3A_3 = tpu.memref_slice %arg5[%dma_start3A] : memref<3200xi32, #tpu.memory_space<vmem>> -> memref<128xi32, #tpu.memory_space<vmem>>
    %dma_start3A_4 = arith.constant 0 : i32
    %dma_start3A_5 = arith.constant 0 : i32
    %dma_start3A_6 = tpu.memref_slice %arg2[%dma_start3A_4, %dma_start3A_5] : memref<401408x128xf32, #tpu.memory_space<hbm>> -> memref<401408x128xf32, #tpu.memory_space<hbm>>
    tpu.enqueue_indirect_dma source(%dma_start3A_6 : memref<401408x128xf32, #tpu.memory_space<hbm>>) target(%arg6 : memref<128x128xf32, #tpu.memory_space<vmem>>) offsets(%dma_start3A_3 : memref<128xi32, #tpu.memory_space<vmem>>) semaphore(%arg8 : memref<!tpu.dma_semaphore, #tpu.memory_space<semaphore_mem>>)
    %scan3A = arith.constant 0 : i32
    %scan3A_7 = arith.constant 0 : i32
    %scan3A_8 = arith.constant 12 : i32
    %scan3A_9 = arith.addi %scan3A_7, %scan3A_8 : i32
    %scan3A_10 = arith.constant 1 : i32
    scf.for %scan3A_23 = %scan3A_7 to %scan3A_9 step %scan3A_10  : i32 {
      %mul3A_24 = arith.constant 2 : i32
      %mul3A_25 = arith.muli %scan3A_23, %mul3A_24 : i32
      %add3A_26 = arith.constant 1 : i32
      %add3A_27 = arith.addi %mul3A_25, %add3A_26 : i32
      %mul3A_28 = arith.constant 128 : i32
      %mul3A_29 = arith.muli %add3A_27, %mul3A_28 : i32
      %dma_start3A_30 = tpu.memref_slice %arg5[%mul3A_29] : memref<3200xi32, #tpu.memory_space<vmem>> -> memref<128xi32, #tpu.memory_space<vmem>>
      %dma_start3A_31 = arith.constant 0 : i32
      %dma_start3A_32 = arith.constant 0 : i32
      %dma_start3A_33 = tpu.memref_slice %arg2[%dma_start3A_31, %dma_start3A_32] : memref<401408x128xf32, #tpu.memory_space<hbm>> -> memref<401408x128xf32, #tpu.memory_space<hbm>>
      tpu.enqueue_indirect_dma source(%dma_start3A_33 : memref<401408x128xf32, #tpu.memory_space<hbm>>) target(%arg7 : memref<128x128xf32, #tpu.memory_space<vmem>>) offsets(%dma_start3A_30 : memref<128xi32, #tpu.memory_space<vmem>>) semaphore(%arg9 : memref<!tpu.dma_semaphore, #tpu.memory_space<semaphore_mem>>)
      %mul3A_34 = arith.constant 128 : i32
      %mul3A_35 = arith.muli %mul3A_25, %mul3A_34 : i32
      %dma_wait3A_36 = tpu.memref_slice %arg5[%mul3A_35] : memref<3200xi32, #tpu.memory_space<vmem>> -> memref<128xi32, #tpu.memory_space<vmem>>
      %dma_wait3A_37 = arith.constant 0 : i32
      %dma_wait3A_38 = arith.constant 0 : i32
      %dma_wait3A_39 = tpu.memref_slice %arg2[%dma_wait3A_37, %dma_wait3A_38] : memref<401408x128xf32, #tpu.memory_space<hbm>> -> memref<401408x128xf32, #tpu.memory_space<hbm>>
      tpu.wait_indirect_dma semaphore(%arg8 : memref<!tpu.dma_semaphore, #tpu.memory_space<semaphore_mem>>) src(%dma_wait3A_39 : memref<401408x128xf32, #tpu.memory_space<hbm>>) dst(%arg6 : memref<128x128xf32, #tpu.memory_space<vmem>>)
      %mul3A_40 = arith.constant 128 : i32
      %mul3A_41 = arith.muli %mul3A_25, %mul3A_40 : i32
      %add3A_42 = arith.addi %mul3A_2, %mul3A_41 : i32
      "tpu.region"() ({
        %run_scoped3A = tpu.sem_alloc : memref<!tpu.dma_semaphore, #tpu.memory_space<semaphore_mem>>
        %dma_start3A_56 = arith.constant 0 : i32
        %dma_start3A_57 = tpu.memref_slice %arg4[%add3A_42, %dma_start3A_56] : memref<102400x128xf32, #tpu.memory_space<hbm>> -> memref<128x128xf32, #tpu.memory_space<hbm>>
        %dma_start3A_58 = arith.constant 0 : i32
        %dma_start3A_59 = tpu.memref_slice %arg4[%add3A_42, %dma_start3A_58] : memref<102400x128xf32, #tpu.memory_space<hbm>> -> memref<128x128xf32, #tpu.memory_space<hbm>>
        tpu.enqueue_dma source(%arg6 : memref<128x128xf32, #tpu.memory_space<vmem>>) target(%dma_start3A_59 : memref<128x128xf32, #tpu.memory_space<hbm>>) target_semaphore(%run_scoped3A : memref<!tpu.dma_semaphore, #tpu.memory_space<semaphore_mem>>)
        %dma_wait3A_60 = arith.constant 0 : i32
        %dma_wait3A_61 = tpu.memref_slice %arg4[%add3A_42, %dma_wait3A_60] : memref<102400x128xf32, #tpu.memory_space<hbm>> -> memref<128x128xf32, #tpu.memory_space<hbm>>
        %dma_wait3A_62 = arith.constant 0 : i32
        %dma_wait3A_63 = tpu.memref_slice %arg4[%add3A_42, %dma_wait3A_62] : memref<102400x128xf32, #tpu.memory_space<hbm>> -> memref<128x128xf32, #tpu.memory_space<hbm>>
        tpu.wait_dma2 semaphore(%run_scoped3A : memref<!tpu.dma_semaphore, #tpu.memory_space<semaphore_mem>>) src(%arg6 : memref<128x128xf32, #tpu.memory_space<vmem>>) dst(%dma_wait3A_63 : memref<128x128xf32, #tpu.memory_space<hbm>>)
        tpu.yield
      }) : () -> ()
      %add3A_43 = arith.constant 1 : i32
      %add3A_44 = arith.addi %scan3A_23, %add3A_43 : i32
      %lt3A = arith.constant 12 : i32
      %lt3A_45 = arith.cmpi slt, %add3A_44, %lt3A : i32
      %convert_element_type3A = arith.extui %lt3A_45 : i1 to i32
      %cond3A = arith.constant 0 : i32
      %cond3A_46 = arith.cmpi ne, %convert_element_type3A, %cond3A : i32
      scf.if %cond3A_46 {
        %add3A_56 = arith.constant 2 : i32
        %add3A_57 = arith.addi %mul3A_25, %add3A_56 : i32
        %mul3A_58 = arith.constant 128 : i32
        %mul3A_59 = arith.muli %add3A_57, %mul3A_58 : i32
        %dma_start3A_60 = tpu.memref_slice %arg5[%mul3A_59] : memref<3200xi32, #tpu.memory_space<vmem>> -> memref<128xi32, #tpu.memory_space<vmem>>
        %dma_start3A_61 = arith.constant 0 : i32
        %dma_start3A_62 = arith.constant 0 : i32
        %dma_start3A_63 = tpu.memref_slice %arg2[%dma_start3A_61, %dma_start3A_62] : memref<401408x128xf32, #tpu.memory_space<hbm>> -> memref<401408x128xf32, #tpu.memory_space<hbm>>
        tpu.enqueue_indirect_dma source(%dma_start3A_63 : memref<401408x128xf32, #tpu.memory_space<hbm>>) target(%arg6 : memref<128x128xf32, #tpu.memory_space<vmem>>) offsets(%dma_start3A_60 : memref<128xi32, #tpu.memory_space<vmem>>) semaphore(%arg8 : memref<!tpu.dma_semaphore, #tpu.memory_space<semaphore_mem>>)
      } else {
      }
      %mul3A_47 = arith.constant 128 : i32
      %mul3A_48 = arith.muli %add3A_27, %mul3A_47 : i32
      %dma_wait3A_49 = tpu.memref_slice %arg5[%mul3A_48] : memref<3200xi32, #tpu.memory_space<vmem>> -> memref<128xi32, #tpu.memory_space<vmem>>
      %dma_wait3A_50 = arith.constant 0 : i32
      %dma_wait3A_51 = arith.constant 0 : i32
      %dma_wait3A_52 = tpu.memref_slice %arg2[%dma_wait3A_50, %dma_wait3A_51] : memref<401408x128xf32, #tpu.memory_space<hbm>> -> memref<401408x128xf32, #tpu.memory_space<hbm>>
      tpu.wait_indirect_dma semaphore(%arg9 : memref<!tpu.dma_semaphore, #tpu.memory_space<semaphore_mem>>) src(%dma_wait3A_52 : memref<401408x128xf32, #tpu.memory_space<hbm>>) dst(%arg7 : memref<128x128xf32, #tpu.memory_space<vmem>>)
      %mul3A_53 = arith.constant 128 : i32
      %mul3A_54 = arith.muli %add3A_27, %mul3A_53 : i32
      %add3A_55 = arith.addi %mul3A_2, %mul3A_54 : i32
      "tpu.region"() ({
        %run_scoped3A = tpu.sem_alloc : memref<!tpu.dma_semaphore, #tpu.memory_space<semaphore_mem>>
        %dma_start3A_56 = arith.constant 0 : i32
        %dma_start3A_57 = tpu.memref_slice %arg4[%add3A_55, %dma_start3A_56] : memref<102400x128xf32, #tpu.memory_space<hbm>> -> memref<128x128xf32, #tpu.memory_space<hbm>>
        %dma_start3A_58 = arith.constant 0 : i32
        %dma_start3A_59 = tpu.memref_slice %arg4[%add3A_55, %dma_start3A_58] : memref<102400x128xf32, #tpu.memory_space<hbm>> -> memref<128x128xf32, #tpu.memory_space<hbm>>
        tpu.enqueue_dma source(%arg7 : memref<128x128xf32, #tpu.memory_space<vmem>>) target(%dma_start3A_59 : memref<128x128xf32, #tpu.memory_space<hbm>>) target_semaphore(%run_scoped3A : memref<!tpu.dma_semaphore, #tpu.memory_space<semaphore_mem>>)
        %dma_wait3A_60 = arith.constant 0 : i32
        %dma_wait3A_61 = tpu.memref_slice %arg4[%add3A_55, %dma_wait3A_60] : memref<102400x128xf32, #tpu.memory_space<hbm>> -> memref<128x128xf32, #tpu.memory_space<hbm>>
        %dma_wait3A_62 = arith.constant 0 : i32
        %dma_wait3A_63 = tpu.memref_slice %arg4[%add3A_55, %dma_wait3A_62] : memref<102400x128xf32, #tpu.memory_space<hbm>> -> memref<128x128xf32, #tpu.memory_space<hbm>>
        tpu.wait_dma2 semaphore(%run_scoped3A : memref<!tpu.dma_semaphore, #tpu.memory_space<semaphore_mem>>) src(%arg7 : memref<128x128xf32, #tpu.memory_space<vmem>>) dst(%dma_wait3A_63 : memref<128x128xf32, #tpu.memory_space<hbm>>)
        tpu.yield
      }) : () -> ()
    }
    %scan3A_11 = arith.constant 12 : i32
    %dma_start3A_12 = arith.constant 3072 : i32
    %dma_start3A_13 = tpu.memref_slice %arg5[%dma_start3A_12] : memref<3200xi32, #tpu.memory_space<vmem>> -> memref<128xi32, #tpu.memory_space<vmem>>
    %dma_start3A_14 = arith.constant 0 : i32
    %dma_start3A_15 = arith.constant 0 : i32
    %dma_start3A_16 = tpu.memref_slice %arg2[%dma_start3A_14, %dma_start3A_15] : memref<401408x128xf32, #tpu.memory_space<hbm>> -> memref<401408x128xf32, #tpu.memory_space<hbm>>
    tpu.enqueue_indirect_dma source(%dma_start3A_16 : memref<401408x128xf32, #tpu.memory_space<hbm>>) target(%arg6 : memref<128x128xf32, #tpu.memory_space<vmem>>) offsets(%dma_start3A_13 : memref<128xi32, #tpu.memory_space<vmem>>) semaphore(%arg8 : memref<!tpu.dma_semaphore, #tpu.memory_space<semaphore_mem>>)
    %dma_wait3A = arith.constant 3072 : i32
    %dma_wait3A_17 = tpu.memref_slice %arg5[%dma_wait3A] : memref<3200xi32, #tpu.memory_space<vmem>> -> memref<128xi32, #tpu.memory_space<vmem>>
    %dma_wait3A_18 = arith.constant 0 : i32
    %dma_wait3A_19 = arith.constant 0 : i32
    %dma_wait3A_20 = tpu.memref_slice %arg2[%dma_wait3A_18, %dma_wait3A_19] : memref<401408x128xf32, #tpu.memory_space<hbm>> -> memref<401408x128xf32, #tpu.memory_space<hbm>>
    tpu.wait_indirect_dma semaphore(%arg8 : memref<!tpu.dma_semaphore, #tpu.memory_space<semaphore_mem>>) src(%dma_wait3A_20 : memref<401408x128xf32, #tpu.memory_space<hbm>>) dst(%arg6 : memref<128x128xf32, #tpu.memory_space<vmem>>)
    %add3A_21 = arith.constant 3072 : i32
    %add3A_22 = arith.addi %mul3A_2, %add3A_21 : i32
    "tpu.region"() ({
      %run_scoped3A = tpu.sem_alloc : memref<!tpu.dma_semaphore, #tpu.memory_space<semaphore_mem>>
      %dma_start3A_23 = arith.constant 0 : i32
      %dma_start3A_24 = tpu.memref_slice %arg4[%add3A_22, %dma_start3A_23] : memref<102400x128xf32, #tpu.memory_space<hbm>> -> memref<128x128xf32, #tpu.memory_space<hbm>>
      %dma_start3A_25 = arith.constant 0 : i32
      %dma_start3A_26 = tpu.memref_slice %arg4[%add3A_22, %dma_start3A_25] : memref<102400x128xf32, #tpu.memory_space<hbm>> -> memref<128x128xf32, #tpu.memory_space<hbm>>
      tpu.enqueue_dma source(%arg6 : memref<128x128xf32, #tpu.memory_space<vmem>>) target(%dma_start3A_26 : memref<128x128xf32, #tpu.memory_space<hbm>>) target_semaphore(%run_scoped3A : memref<!tpu.dma_semaphore, #tpu.memory_space<semaphore_mem>>)
      %dma_wait3A_27 = arith.constant 0 : i32
      %dma_wait3A_28 = tpu.memref_slice %arg4[%add3A_22, %dma_wait3A_27] : memref<102400x128xf32, #tpu.memory_space<hbm>> -> memref<128x128xf32, #tpu.memory_space<hbm>>
      %dma_wait3A_29 = arith.constant 0 : i32
      %dma_wait3A_30 = tpu.memref_slice %arg4[%add3A_22, %dma_wait3A_29] : memref<102400x128xf32, #tpu.memory_space<hbm>> -> memref<128x128xf32, #tpu.memory_space<hbm>>
      tpu.wait_dma2 semaphore(%run_scoped3A : memref<!tpu.dma_semaphore, #tpu.memory_space<semaphore_mem>>) src(%arg6 : memref<128x128xf32, #tpu.memory_space<vmem>>) dst(%dma_wait3A_30 : memref<128x128xf32, #tpu.memory_space<hbm>>)
      tpu.yield
    }) : () -> ()
    return
  }
}

#map = affine_map<(d0, d1) -> (0, 0)>
#map1 = affine_map<(d0, d1) -> (0)>
module attributes {stable_mosaic.version = 14 : i64} {
  func.func @k(%arg0: i32, %arg1: i32, %arg2: memref<401408x128xf32, #tpu.memory_space<hbm>>, %arg3: memref<102400xi32, #tpu.memory_space<hbm>>, %arg4: memref<102400x128xf32, #tpu.memory_space<hbm>>, %arg5: memref<3200xi32, #tpu.memory_space<vmem>>, %arg6: memref<128x128xf32, #tpu.memory_space<vmem>>, %arg7: memref<128x128xf32, #tpu.memory_space<vmem>>, %arg8: memref<!tpu.dma_semaphore, #tpu.memory_space<semaphore_mem>>, %arg9: memref<!tpu.dma_semaphore, #tpu.memory_space<semaphore_mem>>) attributes {dimension_semantics = [#tpu.dimension_semantics<core_parallel>, #tpu.dimension_semantics<subcore_parallel>], iteration_bounds = array<i64: 2, 16>, scalar_prefetch = 0 : i64, scratch_operands = 5 : i64, tpu.core_type = #tpu.core_type<sc_vector_subcore>, window_params = [{transform_indices = #map}, {transform_indices = #map1}, {transform_indices = #map}]} {
    %mul3A = arith.constant 2 : i32
    %mul3A_0 = arith.muli %arg1, %mul3A : i32
    %add3A = arith.addi %mul3A_0, %arg0 : i32
    %mul3A_1 = arith.constant 3200 : i32
    %mul3A_2 = arith.muli %add3A, %mul3A_1 : i32
    "tpu.region"() ({
      %run_scoped3A = tpu.sem_alloc : memref<!tpu.dma_semaphore, #tpu.memory_space<semaphore_mem>>
      %dma_start3A_23 = tpu.memref_slice %arg3[%mul3A_2] : memref<102400xi32, #tpu.memory_space<hbm>> -> memref<3200xi32, #tpu.memory_space<hbm>>
      %dma_start3A_24 = tpu.memref_slice %arg3[%mul3A_2] : memref<102400xi32, #tpu.memory_space<hbm>> -> memref<3200xi32, #tpu.memory_space<hbm>>
      tpu.enqueue_dma source(%dma_start3A_24 : memref<3200xi32, #tpu.memory_space<hbm>>) target(%arg5 : memref<3200xi32, #tpu.memory_space<vmem>>) target_semaphore(%run_scoped3A : memref<!tpu.dma_semaphore, #tpu.memory_space<semaphore_mem>>)
      %dma_wait3A_25 = tpu.memref_slice %arg3[%mul3A_2] : memref<102400xi32, #tpu.memory_space<hbm>> -> memref<3200xi32, #tpu.memory_space<hbm>>
      %dma_wait3A_26 = tpu.memref_slice %arg3[%mul3A_2] : memref<102400xi32, #tpu.memory_space<hbm>> -> memref<3200xi32, #tpu.memory_space<hbm>>
      tpu.wait_dma2 semaphore(%run_scoped3A : memref<!tpu.dma_semaphore, #tpu.memory_space<semaphore_mem>>) src(%dma_wait3A_26 : memref<3200xi32, #tpu.memory_space<hbm>>) dst(%arg5 : memref<3200xi32, #tpu.memory_space<vmem>>)
      tpu.yield
    }) : () -> ()
    %dma_start3A = arith.constant 0 : i32
    %dma_start3A_3 = tpu.memref_slice %arg5[%dma_start3A] : memref<3200xi32, #tpu.memory_space<vmem>> -> memref<128xi32, #tpu.memory_space<vmem>>
    %dma_start3A_4 = arith.constant 0 : i32
    %dma_start3A_5 = arith.constant 0 : i32
    %dma_start3A_6 = tpu.memref_slice %arg2[%dma_start3A_4, %dma_start3A_5] : memref<401408x128xf32, #tpu.memory_space<hbm>> -> memref<401408x128xf32, #tpu.memory_space<hbm>>
    tpu.enqueue_indirect_dma source(%dma_start3A_6 : memref<401408x128xf32, #tpu.memory_space<hbm>>) target(%arg6 : memref<128x128xf32, #tpu.memory_space<vmem>>) offsets(%dma_start3A_3 : memref<128xi32, #tpu.memory_space<vmem>>) semaphore(%arg8 : memref<!tpu.dma_semaphore, #tpu.memory_space<semaphore_mem>>)
    %scan3A = arith.constant 0 : i32
    %scan3A_7 = arith.constant 0 : i32
    %scan3A_8 = arith.constant 12 : i32
    %scan3A_9 = arith.addi %scan3A_7, %scan3A_8 : i32
    %scan3A_10 = arith.constant 1 : i32
    scf.for %scan3A_23 = %scan3A_7 to %scan3A_9 step %scan3A_10  : i32 {
      %mul3A_24 = arith.constant 2 : i32
      %mul3A_25 = arith.muli %scan3A_23, %mul3A_24 : i32
      %add3A_26 = arith.constant 1 : i32
      %add3A_27 = arith.addi %mul3A_25, %add3A_26 : i32
      %mul3A_28 = arith.constant 128 : i32
      %mul3A_29 = arith.muli %add3A_27, %mul3A_28 : i32
      %dma_start3A_30 = tpu.memref_slice %arg5[%mul3A_29] : memref<3200xi32, #tpu.memory_space<vmem>> -> memref<128xi32, #tpu.memory_space<vmem>>
      %dma_start3A_31 = arith.constant 0 : i32
      %dma_start3A_32 = arith.constant 0 : i32
      %dma_start3A_33 = tpu.memref_slice %arg2[%dma_start3A_31, %dma_start3A_32] : memref<401408x128xf32, #tpu.memory_space<hbm>> -> memref<401408x128xf32, #tpu.memory_space<hbm>>
      tpu.enqueue_indirect_dma source(%dma_start3A_33 : memref<401408x128xf32, #tpu.memory_space<hbm>>) target(%arg7 : memref<128x128xf32, #tpu.memory_space<vmem>>) offsets(%dma_start3A_30 : memref<128xi32, #tpu.memory_space<vmem>>) semaphore(%arg9 : memref<!tpu.dma_semaphore, #tpu.memory_space<semaphore_mem>>)
      %mul3A_34 = arith.constant 128 : i32
      %mul3A_35 = arith.muli %mul3A_25, %mul3A_34 : i32
      %dma_wait3A_36 = tpu.memref_slice %arg5[%mul3A_35] : memref<3200xi32, #tpu.memory_space<vmem>> -> memref<128xi32, #tpu.memory_space<vmem>>
      %dma_wait3A_37 = arith.constant 0 : i32
      %dma_wait3A_38 = arith.constant 0 : i32
      %dma_wait3A_39 = tpu.memref_slice %arg2[%dma_wait3A_37, %dma_wait3A_38] : memref<401408x128xf32, #tpu.memory_space<hbm>> -> memref<401408x128xf32, #tpu.memory_space<hbm>>
      tpu.wait_indirect_dma semaphore(%arg8 : memref<!tpu.dma_semaphore, #tpu.memory_space<semaphore_mem>>) src(%dma_wait3A_39 : memref<401408x128xf32, #tpu.memory_space<hbm>>) dst(%arg6 : memref<128x128xf32, #tpu.memory_space<vmem>>)
      %mul3A_40 = arith.constant 128 : i32
      %mul3A_41 = arith.muli %mul3A_25, %mul3A_40 : i32
      %add3A_42 = arith.addi %mul3A_2, %mul3A_41 : i32
      "tpu.region"() ({
        %run_scoped3A = tpu.sem_alloc : memref<!tpu.dma_semaphore, #tpu.memory_space<semaphore_mem>>
        %dma_start3A_56 = arith.constant 0 : i32
        %dma_start3A_57 = tpu.memref_slice %arg4[%add3A_42, %dma_start3A_56] : memref<102400x128xf32, #tpu.memory_space<hbm>> -> memref<128x128xf32, #tpu.memory_space<hbm>>
        %dma_start3A_58 = arith.constant 0 : i32
        %dma_start3A_59 = tpu.memref_slice %arg4[%add3A_42, %dma_start3A_58] : memref<102400x128xf32, #tpu.memory_space<hbm>> -> memref<128x128xf32, #tpu.memory_space<hbm>>
        tpu.enqueue_dma source(%arg6 : memref<128x128xf32, #tpu.memory_space<vmem>>) target(%dma_start3A_59 : memref<128x128xf32, #tpu.memory_space<hbm>>) target_semaphore(%run_scoped3A : memref<!tpu.dma_semaphore, #tpu.memory_space<semaphore_mem>>)
        %dma_wait3A_60 = arith.constant 0 : i32
        %dma_wait3A_61 = tpu.memref_slice %arg4[%add3A_42, %dma_wait3A_60] : memref<102400x128xf32, #tpu.memory_space<hbm>> -> memref<128x128xf32, #tpu.memory_space<hbm>>
        %dma_wait3A_62 = arith.constant 0 : i32
        %dma_wait3A_63 = tpu.memref_slice %arg4[%add3A_42, %dma_wait3A_62] : memref<102400x128xf32, #tpu.memory_space<hbm>> -> memref<128x128xf32, #tpu.memory_space<hbm>>
        tpu.wait_dma2 semaphore(%run_scoped3A : memref<!tpu.dma_semaphore, #tpu.memory_space<semaphore_mem>>) src(%arg6 : memref<128x128xf32, #tpu.memory_space<vmem>>) dst(%dma_wait3A_63 : memref<128x128xf32, #tpu.memory_space<hbm>>)
        tpu.yield
      }) : () -> ()
      %add3A_43 = arith.constant 1 : i32
      %add3A_44 = arith.addi %scan3A_23, %add3A_43 : i32
      %lt3A = arith.constant 12 : i32
      %lt3A_45 = arith.cmpi slt, %add3A_44, %lt3A : i32
      %convert_element_type3A = arith.extui %lt3A_45 : i1 to i32
      %cond3A = arith.constant 0 : i32
      %cond3A_46 = arith.cmpi ne, %convert_element_type3A, %cond3A : i32
      scf.if %cond3A_46 {
        %add3A_56 = arith.constant 2 : i32
        %add3A_57 = arith.addi %mul3A_25, %add3A_56 : i32
        %mul3A_58 = arith.constant 128 : i32
        %mul3A_59 = arith.muli %add3A_57, %mul3A_58 : i32
        %dma_start3A_60 = tpu.memref_slice %arg5[%mul3A_59] : memref<3200xi32, #tpu.memory_space<vmem>> -> memref<128xi32, #tpu.memory_space<vmem>>
        %dma_start3A_61 = arith.constant 0 : i32
        %dma_start3A_62 = arith.constant 0 : i32
        %dma_start3A_63 = tpu.memref_slice %arg2[%dma_start3A_61, %dma_start3A_62] : memref<401408x128xf32, #tpu.memory_space<hbm>> -> memref<401408x128xf32, #tpu.memory_space<hbm>>
        tpu.enqueue_indirect_dma source(%dma_start3A_63 : memref<401408x128xf32, #tpu.memory_space<hbm>>) target(%arg6 : memref<128x128xf32, #tpu.memory_space<vmem>>) offsets(%dma_start3A_60 : memref<128xi32, #tpu.memory_space<vmem>>) semaphore(%arg8 : memref<!tpu.dma_semaphore, #tpu.memory_space<semaphore_mem>>)
      } else {
      }
      %mul3A_47 = arith.constant 128 : i32
      %mul3A_48 = arith.muli %add3A_27, %mul3A_47 : i32
      %dma_wait3A_49 = tpu.memref_slice %arg5[%mul3A_48] : memref<3200xi32, #tpu.memory_space<vmem>> -> memref<128xi32, #tpu.memory_space<vmem>>
      %dma_wait3A_50 = arith.constant 0 : i32
      %dma_wait3A_51 = arith.constant 0 : i32
      %dma_wait3A_52 = tpu.memref_slice %arg2[%dma_wait3A_50, %dma_wait3A_51] : memref<401408x128xf32, #tpu.memory_space<hbm>> -> memref<401408x128xf32, #tpu.memory_space<hbm>>
      tpu.wait_indirect_dma semaphore(%arg9 : memref<!tpu.dma_semaphore, #tpu.memory_space<semaphore_mem>>) src(%dma_wait3A_52 : memref<401408x128xf32, #tpu.memory_space<hbm>>) dst(%arg7 : memref<128x128xf32, #tpu.memory_space<vmem>>)
      %mul3A_53 = arith.constant 128 : i32
      %mul3A_54 = arith.muli %add3A_27, %mul3A_53 : i32
      %add3A_55 = arith.addi %mul3A_2, %mul3A_54 : i32
      "tpu.region"() ({
        %run_scoped3A = tpu.sem_alloc : memref<!tpu.dma_semaphore, #tpu.memory_space<semaphore_mem>>
        %dma_start3A_56 = arith.constant 0 : i32
        %dma_start3A_57 = tpu.memref_slice %arg4[%add3A_55, %dma_start3A_56] : memref<102400x128xf32, #tpu.memory_space<hbm>> -> memref<128x128xf32, #tpu.memory_space<hbm>>
        %dma_start3A_58 = arith.constant 0 : i32
        %dma_start3A_59 = tpu.memref_slice %arg4[%add3A_55, %dma_start3A_58] : memref<102400x128xf32, #tpu.memory_space<hbm>> -> memref<128x128xf32, #tpu.memory_space<hbm>>
        tpu.enqueue_dma source(%arg7 : memref<128x128xf32, #tpu.memory_space<vmem>>) target(%dma_start3A_59 : memref<128x128xf32, #tpu.memory_space<hbm>>) target_semaphore(%run_scoped3A : memref<!tpu.dma_semaphore, #tpu.memory_space<semaphore_mem>>)
        %dma_wait3A_60 = arith.constant 0 : i32
        %dma_wait3A_61 = tpu.memref_slice %arg4[%add3A_55, %dma_wait3A_60] : memref<102400x128xf32, #tpu.memory_space<hbm>> -> memref<128x128xf32, #tpu.memory_space<hbm>>
        %dma_wait3A_62 = arith.constant 0 : i32
        %dma_wait3A_63 = tpu.memref_slice %arg4[%add3A_55, %dma_wait3A_62] : memref<102400x128xf32, #tpu.memory_space<hbm>> -> memref<128x128xf32, #tpu.memory_space<hbm>>
        tpu.wait_dma2 semaphore(%run_scoped3A : memref<!tpu.dma_semaphore, #tpu.memory_space<semaphore_mem>>) src(%arg7 : memref<128x128xf32, #tpu.memory_space<vmem>>) dst(%dma_wait3A_63 : memref<128x128xf32, #tpu.memory_space<hbm>>)
        tpu.yield
      }) : () -> ()
    }
    %scan3A_11 = arith.constant 12 : i32
    %dma_start3A_12 = arith.constant 3072 : i32
    %dma_start3A_13 = tpu.memref_slice %arg5[%dma_start3A_12] : memref<3200xi32, #tpu.memory_space<vmem>> -> memref<128xi32, #tpu.memory_space<vmem>>
    %dma_start3A_14 = arith.constant 0 : i32
    %dma_start3A_15 = arith.constant 0 : i32
    %dma_start3A_16 = tpu.memref_slice %arg2[%dma_start3A_14, %dma_start3A_15] : memref<401408x128xf32, #tpu.memory_space<hbm>> -> memref<401408x128xf32, #tpu.memory_space<hbm>>
    tpu.enqueue_indirect_dma source(%dma_start3A_16 : memref<401408x128xf32, #tpu.memory_space<hbm>>) target(%arg6 : memref<128x128xf32, #tpu.memory_space<vmem>>) offsets(%dma_start3A_13 : memref<128xi32, #tpu.memory_space<vmem>>) semaphore(%arg8 : memref<!tpu.dma_semaphore, #tpu.memory_space<semaphore_mem>>)
    %dma_wait3A = arith.constant 3072 : i32
    %dma_wait3A_17 = tpu.memref_slice %arg5[%dma_wait3A] : memref<3200xi32, #tpu.memory_space<vmem>> -> memref<128xi32, #tpu.memory_space<vmem>>
    %dma_wait3A_18 = arith.constant 0 : i32
    %dma_wait3A_19 = arith.constant 0 : i32
    %dma_wait3A_20 = tpu.memref_slice %arg2[%dma_wait3A_18, %dma_wait3A_19] : memref<401408x128xf32, #tpu.memory_space<hbm>> -> memref<401408x128xf32, #tpu.memory_space<hbm>>
    tpu.wait_indirect_dma semaphore(%arg8 : memref<!tpu.dma_semaphore, #tpu.memory_space<semaphore_mem>>) src(%dma_wait3A_20 : memref<401408x128xf32, #tpu.memory_space<hbm>>) dst(%arg6 : memref<128x128xf32, #tpu.memory_space<vmem>>)
    %add3A_21 = arith.constant 3072 : i32
    %add3A_22 = arith.addi %mul3A_2, %add3A_21 : i32
    "tpu.region"() ({
      %run_scoped3A = tpu.sem_alloc : memref<!tpu.dma_semaphore, #tpu.memory_space<semaphore_mem>>
      %dma_start3A_23 = arith.constant 0 : i32
      %dma_start3A_24 = tpu.memref_slice %arg4[%add3A_22, %dma_start3A_23] : memref<102400x128xf32, #tpu.memory_space<hbm>> -> memref<128x128xf32, #tpu.memory_space<hbm>>
      %dma_start3A_25 = arith.constant 0 : i32
      %dma_start3A_26 = tpu.memref_slice %arg4[%add3A_22, %dma_start3A_25] : memref<102400x128xf32, #tpu.memory_space<hbm>> -> memref<128x128xf32, #tpu.memory_space<hbm>>
      tpu.enqueue_dma source(%arg6 : memref<128x128xf32, #tpu.memory_space<vmem>>) target(%dma_start3A_26 : memref<128x128xf32, #tpu.memory_space<hbm>>) target_semaphore(%run_scoped3A : memref<!tpu.dma_semaphore, #tpu.memory_space<semaphore_mem>>)
      %dma_wait3A_27 = arith.constant 0 : i32
      %dma_wait3A_28 = tpu.memref_slice %arg4[%add3A_22, %dma_wait3A_27] : memref<102400x128xf32, #tpu.memory_space<hbm>> -> memref<128x128xf32, #tpu.memory_space<hbm>>
      %dma_wait3A_29 = arith.constant 0 : i32
      %dma_wait3A_30 = tpu.memref_slice %arg4[%add3A_22, %dma_wait3A_29] : memref<102400x128xf32, #tpu.memory_space<hbm>> -> memref<128x128xf32, #tpu.memory_space<hbm>>
      tpu.wait_dma2 semaphore(%run_scoped3A : memref<!tpu.dma_semaphore, #tpu.memory_space<semaphore_mem>>) src(%arg6 : memref<128x128xf32, #tpu.memory_space<vmem>>) dst(%dma_wait3A_30 : memref<128x128xf32, #tpu.memory_space<hbm>>)
      tpu.yield
    }) : () -> ()
    return
  }
}

module attributes {stable_mosaic.version = 14 : i64} {
  func.func @body(%arg0: i32, %arg1: memref<100x4096xf32, #tpu.memory_space<vmem>>, %arg2: memref<4096x128xf32, #tpu.memory_space<vmem>>) attributes {dimension_semantics = [#tpu.dimension_semantics<arbitrary>], iteration_bounds = array<i64: 98>, scalar_prefetch = 0 : i64, scratch_operands = 0 : i64, tpu.core_type = #tpu.core_type<tc>, window_params = [{transform_indices = @transform_0, window_bounds = array<i64: 100, 4096>}, {transform_indices = @transform_1, window_bounds = array<i64: 4096, 128>}]} {
    %get3A = arith.constant 0 : index
    %get3A_0 = arith.constant 0 : index
    %get3A_1 = vector.load %arg1[%get3A, %get3A_0] : memref<100x4096xf32, #tpu.memory_space<vmem>>, vector<100x4096xf32>
    %transpose3A = tpu.transpose %get3A_1, [1, 0] : vector<100x4096xf32> -> vector<4096x100xf32>
    %broadcast_in_dim3A = arith.constant 0.000000e+00 : f32
    %broadcast_in_dim3A_2 = vector.broadcast %broadcast_in_dim3A : f32 to vector<4096x27xf32>
    %broadcast_in_dim3A_3 = arith.constant 1.000000e+00 : f32
    %broadcast_in_dim3A_4 = vector.broadcast %broadcast_in_dim3A_3 : f32 to vector<4096x1xf32>
    %concatenate3A = tpu.concatenate %transpose3A, %broadcast_in_dim3A_2, %broadcast_in_dim3A_4 in 1 : vector<4096x100xf32>, vector<4096x27xf32>, vector<4096x1xf32> -> vector<4096x128xf32>
    %swap3A = arith.constant 0 : index
    %swap3A_5 = arith.constant 0 : index
    %swap3A_6 = vector.load %arg2[%swap3A, %swap3A_5] : memref<4096x128xf32, #tpu.memory_space<vmem>>, vector<4096x128xf32>
    tpu.vector_store %arg2[%swap3A, %swap3A_5], %concatenate3A {strides = array<i32>} : memref<4096x128xf32, #tpu.memory_space<vmem>>, vector<4096x128xf32>,
    return
  }
  func.func @transform_0(%arg0: i32) -> (i32, i32) {
    %c0_i32 = arith.constant 0 : i32
    %c0_i32_0 = arith.constant 0 : i32
    return %c0_i32, %arg0 : i32, i32
  }
  func.func @transform_1(%arg0: i32) -> (i32, i32) {
    %c0_i32 = arith.constant 0 : i32
    %c0_i32_0 = arith.constant 0 : i32
    return %arg0, %c0_i32 : i32, i32
  }
}

module attributes {stable_mosaic.version = 14 : i64} {
  func.func @body(%arg0: i32, %arg1: i32, %arg2: memref<2048x128xf32, #tpu.memory_space<vmem>>, %arg3: memref<128x200xf32, #tpu.memory_space<vmem>>, %arg4: memref<1x200x2048xf32, #tpu.memory_space<vmem>>) attributes {dimension_semantics = [#tpu.dimension_semantics<arbitrary>, #tpu.dimension_semantics<arbitrary>], iteration_bounds = array<i64: 25, 2>, scalar_prefetch = 0 : i64, scratch_operands = 0 : i64, tpu.core_type = #tpu.core_type<tc>, window_params = [{transform_indices = @transform_0, window_bounds = array<i64: 2048, 128>}, {pipeline_mode = #tpu.pipeline_mode<synchronous>, transform_indices = @transform_1, window_bounds = array<i64: 128, 200>}, {transform_indices = @transform_2, window_bounds = array<i64: 1, 200, 2048>}]} {
    %get3A = arith.constant 0 : index
    %get3A_0 = arith.constant 0 : index
    %get3A_1 = vector.load %arg3[%get3A, %get3A_0] : memref<128x200xf32, #tpu.memory_space<vmem>>, vector<128x200xf32>
    %get3A_2 = arith.constant 0 : index
    %get3A_3 = arith.constant 0 : index
    %get3A_4 = vector.load %arg2[%get3A_2, %get3A_3] : memref<2048x128xf32, #tpu.memory_space<vmem>>, vector<2048x128xf32>
    %dot_general3A = arith.constant dense<0.000000e+00> : vector<200x2048xf32>
    %dot_general3A_5 = tpu.matmul %get3A_1, %get3A_4, %dot_general3A {dimension_numbers = #tpu.dot_dimension_numbers<[0], [1], [1], [0], [0, 1, 1, 0], [], []>, transpose_lhs_hint = false} : vector<128x200xf32>, vector<2048x128xf32>, vector<200x2048xf32> -> vector<200x2048xf32>
    %broadcast_in_dim3A = vector.shape_cast %dot_general3A_5 : vector<200x2048xf32> to vector<1x200x2048xf32>
    %swap3A = arith.constant 0 : index
    %swap3A_6 = arith.constant 0 : index
    %swap3A_7 = arith.constant 0 : index
    %swap3A_8 = vector.load %arg4[%swap3A, %swap3A_6, %swap3A_7] : memref<1x200x2048xf32, #tpu.memory_space<vmem>>, vector<1x200x2048xf32>
    tpu.vector_store %arg4[%swap3A, %swap3A_6, %swap3A_7], %broadcast_in_dim3A {strides = array<i32>} : memref<1x200x2048xf32, #tpu.memory_space<vmem>>, vector<1x200x2048xf32>,
    return
  }
  func.func @transform_0(%arg0: i32, %arg1: i32) -> (i32, i32) {
    %mul3A = arith.constant 2 : i32
    %mul3A_0 = arith.muli %arg0, %mul3A : i32
    %add3A = arith.addi %mul3A_0, %arg1 : i32
    %c0_i32 = arith.constant 0 : i32
    %c0_i32_1 = arith.constant 0 : i32
    return %add3A, %c0_i32 : i32, i32
  }
  func.func @transform_1(%arg0: i32, %arg1: i32) -> (i32, i32) {
    %c0_i32 = arith.constant 0 : i32
    %c0_i32_0 = arith.constant 0 : i32
    %c0_i32_1 = arith.constant 0 : i32
    return %c0_i32, %c0_i32_0 : i32, i32
  }
  func.func @transform_2(%arg0: i32, %arg1: i32) -> (i32, i32, i32) {
    %add3A = arith.constant 0 : i32
    %add3A_0 = arith.addi %arg0, %add3A : i32
    %c0_i32 = arith.constant 0 : i32
    %c0_i32_1 = arith.constant 0 : i32
    return %add3A_0, %c0_i32, %arg1 : i32, i32, i32
  }
}

module attributes {stable_mosaic.version = 14 : i64} {
  func.func @body(%arg0: i32, %arg1: i32, %arg2: memref<2048x128xf32, #tpu.memory_space<vmem>>, %arg3: memref<128x200xf32, #tpu.memory_space<vmem>>, %arg4: memref<50x200x4096xf32, #tpu.memory_space<any>>, %arg5: memref<1x200x2048xf32, #tpu.memory_space<vmem>>) attributes {dimension_semantics = [#tpu.dimension_semantics<arbitrary>, #tpu.dimension_semantics<arbitrary>], iteration_bounds = array<i64: 25, 2>, scalar_prefetch = 0 : i64, scratch_operands = 0 : i64, tpu.core_type = #tpu.core_type<tc>, window_params = [{transform_indices = @transform_0, window_bounds = array<i64: 2048, 128>}, {pipeline_mode = #tpu.pipeline_mode<synchronous>, transform_indices = @transform_1, window_bounds = array<i64: 128, 200>}, {}, {transform_indices = @transform_3, window_bounds = array<i64: 1, 200, 2048>}]} {
    %get3A = arith.constant 0 : index
    %get3A_0 = arith.constant 0 : index
    %get3A_1 = vector.load %arg3[%get3A, %get3A_0] : memref<128x200xf32, #tpu.memory_space<vmem>>, vector<128x200xf32>
    %get3A_2 = arith.constant 0 : index
    %get3A_3 = arith.constant 0 : index
    %get3A_4 = vector.load %arg2[%get3A_2, %get3A_3] : memref<2048x128xf32, #tpu.memory_space<vmem>>, vector<2048x128xf32>
    %dot_general3A = arith.constant dense<0.000000e+00> : vector<200x2048xf32>
    %dot_general3A_5 = tpu.matmul %get3A_1, %get3A_4, %dot_general3A {dimension_numbers = #tpu.dot_dimension_numbers<[0], [1], [1], [0], [0, 1, 1, 0], [], []>, transpose_lhs_hint = false} : vector<128x200xf32>, vector<2048x128xf32>, vector<200x2048xf32> -> vector<200x2048xf32>
    %broadcast_in_dim3A = vector.shape_cast %dot_general3A_5 : vector<200x2048xf32> to vector<1x200x2048xf32>
    %swap3A = arith.constant 0 : index
    %swap3A_6 = arith.constant 0 : index
    %swap3A_7 = arith.constant 0 : index
    %swap3A_8 = vector.load %arg5[%swap3A, %swap3A_6, %swap3A_7] : memref<1x200x2048xf32, #tpu.memory_space<vmem>>, vector<1x200x2048xf32>
    tpu.vector_store %arg5[%swap3A, %swap3A_6, %swap3A_7], %broadcast_in_dim3A {strides = array<i32>} : memref<1x200x2048xf32, #tpu.memory_space<vmem>>, vector<1x200x2048xf32>,
    return
  }
  func.func @transform_0(%arg0: i32, %arg1: i32) -> (i32, i32) {
    %mul3A = arith.constant 2 : i32
    %mul3A_0 = arith.muli %arg0, %mul3A : i32
    %add3A = arith.addi %mul3A_0, %arg1 : i32
    %c0_i32 = arith.constant 0 : i32
    %c0_i32_1 = arith.constant 0 : i32
    return %add3A, %c0_i32 : i32, i32
  }
  func.func @transform_1(%arg0: i32, %arg1: i32) -> (i32, i32) {
    %c0_i32 = arith.constant 0 : i32
    %c0_i32_0 = arith.constant 0 : i32
    %c0_i32_1 = arith.constant 0 : i32
    return %c0_i32, %c0_i32_0 : i32, i32
  }
  func.func @transform_3(%arg0: i32, %arg1: i32) -> (i32, i32, i32) {
    %add3A = arith.constant 25 : i32
    %add3A_0 = arith.addi %arg0, %add3A : i32
    %c0_i32 = arith.constant 0 : i32
    %c0_i32_1 = arith.constant 0 : i32
    return %add3A_0, %c0_i32, %arg1 : i32, i32, i32
  }
}

</mosaic_0001>

<sc_bundles>
// kernel: kernel.11.cloned.1.call-start
scs
__scs_entry_jumppad:
0x0: {  	(pc) =	sbr.rel $0x88, $3  }
0x1: {  	(tag) =	ssettag $0x0;
	lr =	simm.s32 $0x1  }
0x2: {  	[smem:$0x3F9C] =	sst lr;
	_ =	strace $0xD0000000  }
0x3: {  	_ = 	snop  }
0x4: {  	_ = 	snop  }
0x5: {  	_ = 	snop  }
0x6: {  	_ = 	snop  }
0x7: {  	_ = 	snop  }
__scs_overlays_trampoline_lowered:
0x8: {  	[smem:$0x3FAB] =	sst s0  }
0x9: {  	[smem:$0x3FAC] =	sst s1  }
0xa: {  	[smem:$0x3FAD] =	sst s2  }
0xb: {  	[smem:$0x3FAE] =	sst s3  }
0xc: {  	[smem:$0x3FAF] =	sst s4  }
0xd: {  	[smem:$0x3FB0] =	sst s5  }
0xe: {  	[smem:$0x3FB1] =	sst s6  }
0xf: {  	[smem:$0x3FB2] =	sst s7  }
0x10: {  	[smem:$0x3FB3] =	sst s8  }
0x11: {  	[smem:$0x3FB4] =	sst s9;
	s0 =	simm.s32 @!p0 $0x0  }
0x12: {  	s1 =	sld [smem:$0x3F9A];
	s0 =	simm.s32 @p0 $0x1  }
0x13: {  	[smem:$0x3FB5] =	sst s0;
	s0 =	simm.s32 @!p1 $0x0  }
0x14: {  	s2 =	sld [smem:$0x3F99];
	s0 =	simm.s32 @p1 $0x1  }
0x15: {  	[smem:$0x3FB6] =	sst s0;
	s0 =	simm.s32 @!p2 $0x0  }
0x16: {  	s3 =	sld [smem:$0x3FDB];
	s0 =	simm.s32 @p2 $0x1  }
0x17: {  	s4 =	simm.s32 $0x1BF5;
	[smem:$0x3FB8] =	sst s0  }
0x18: {  	s0 =	sld [smem:$0x3F9B];
	_ =	swait.ge [sflag:s4], $0x0  }
0x19: {  	s7 =	sld [smem:$0x3F9C]  }
0x1a: {  	s8 =	sadd.s32 $0xFFFFE003, lr  }
0x1b: {  	s9 =	sadd.s32 $0xFFFFFEF7, lr;
	s5 =	simm.s32 $0xFFFFFFFF;
	p2 =	slt.u32 s8, $0xFFFFF086  }
0x1c: {  	p1 =	slt.u32 s9, $0xF7A;
	s5 =	simm.s32 @!p2 $0x0  }
0x1d: {  	s5 =	simm.s32 @p1 $0x1;
	p0 =	seq.s32 s7, s2  }
0x1e: {  	s7 =	smul.u32 @!p0 $0xF7A, s2;
	p2 =	seq.s32 @!p0 s5, $0x0  }
0x1f: {  	s9 =	smul.u32 $0xF7A, s1;
	s8 =	simm.s32 @!p0 $0x1BF5;
	p2 =	por !p2, p0  }
0x20: {  	[sflag:s8] =	ssyncset.s32 @!p0 $0xFFFFF086;
	s6 =	sadd.s32 @!p0 s3, s7;
	s7 =	simm.s32 @!p0 $0x108  }
0x21: {  	s3 =	sadd.s32 s3, s9;
	s6 =	sadd.s32 @!p0 $0x88, s6;
	s7 =	simm.s32 @p2 $0x1082  }
0x22: {  	[simem:s7], [sflag:s8] =	dma.local @!p0 [hbm:s6], $0xF7A  }
0x23: {  	s9 =	sor.u32 $0xD0000000, s2;
	s6 =	simm.s32 $0x108;
	_ =	swait.ge @!p0 [sflag:s8], $0x0  }
0x24: {  	s3 =	sadd.s32 $0x88, s3;
	s6 =	simm.s32 @!p1 $0x1082;
	[sflag:s4] =	ssyncset.s32 $0xFFFFF086  }
0x25: {  	[simem:s6], [sflag:s4] =	dma.local [hbm:s3], $0xF7A  }
0x26: {  	[smem:$0x3F9C] =	sst s1;
	(tag) =	ssettag s2;
	_ =	strace s9  }
0x27: {  	s1 =	sld [smem:$0x3FAC]  }
0x28: {  	s2 =	sld [smem:$0x3FAD]  }
0x29: {  	s4 =	sld [smem:$0x3FAF]  }
0x2a: {  	p0 =	seq.s32 s5, $0x0;
	s5 =	sld [smem:$0x3FB0]  }
0x2b: {  	s6 =	sld [smem:$0x3FB1]  }
0x2c: {  	s7 =	sld [smem:$0x3FB2]  }
0x2d: {  	s3 =	simm.s32 $0x108;
	s8 =	sld [smem:$0x3FB3]  }
0x2e: {  	s3 =	simm.s32 @!p0 $0x1082;
	s9 =	sld [smem:$0x3FB4]  }
0x2f: {  	lr =	sadd.s32 s0, s3;
	s0 =	sld [smem:$0x3FAB]  }
0x30: {  	s3 =	sld [smem:$0x3FAE]  }
0x31: {  	[smem:$0x3FB7] =	sst s10  }
0x32: {  	s10 =	sld [smem:$0x3FB5];
	_ =	sdelay $0x3  }
0x33: {  	p0 =	seq.s32 s10, $0x1;
	s10 =	sld [smem:$0x3FB7];
	_ =	sdelay $0x3  }
0x34: {  	[smem:$0x3FB7] =	sst s10  }
0x35: {  	s10 =	sld [smem:$0x3FB6];
	_ =	sdelay $0x3  }
0x36: {  	p1 =	seq.s32 s10, $0x1;
	s10 =	sld [smem:$0x3FB7];
	_ =	sdelay $0x3  }
0x37: {  	[smem:$0x3FB7] =	sst s10  }
0x38: {  	s10 =	sld [smem:$0x3FB8]  }
0x39: {  	_ = 	snop;
	(pc) =	sbr.ind lr, $3  }
0x3a: {  	_ = 	snop  }
0x3b: {  	_ = 	snop  }
0x3c: {  	p2 =	seq.s32 s10, $0x1;
	s10 =	sld [smem:$0x3FB7]  }
0x3d: {  	_ =	shalt  }
0x3e: {  	_ =	shalt  }
0x3f: {  	_ =	shalt  }
0x40: {  	_ =	shalt  }
0x41: {  	_ =	shalt  }
0x42: {  	_ =	shalt  }
0x43: {  	_ =	shalt  }
0x44: {  	_ =	shalt  }
0x45: {  	_ =	shalt  }
0x46: {  	_ =	shalt  }
0x47: {  	_ =	shalt  }
0x48: {  	_ =	shalt  }
0x49: {  	_ =	shalt  }
0x4a: {  	_ =	shalt  }
0x4b: {  	_ =	shalt  }
0x4c: {  	_ =	shalt  }
0x4d: {  	_ =	shalt  }
0x4e: {  	_ =	shalt  }
0x4f: {  	_ =	shalt  }
0x50: {  	_ =	shalt  }
0x51: {  	_ =	shalt  }
0x52: {  	_ =	shalt  }
0x53: {  	_ =	shalt  }
0x54: {  	_ =	shalt  }
0x55: {  	_ =	shalt  }
0x56: {  	_ =	shalt  }
0x57: {  	_ =	shalt  }
0x58: {  	_ =	shalt  }
0x59: {  	_ =	shalt  }
0x5a: {  	_ =	shalt  }
0x5b: {  	_ =	shalt  }
0x5c: {  	_ =	shalt  }
0x5d: {  	_ =	shalt  }
0x5e: {  	_ =	shalt  }
0x5f: {  	_ =	shalt  }
0x60: {  	_ =	shalt  }
0x61: {  	_ =	shalt  }
0x62: {  	_ =	shalt  }
0x63: {  	_ =	shalt  }
0x64: {  	_ =	shalt  }
0x65: {  	_ =	shalt  }
0x66: {  	_ =	shalt  }
0x67: {  	_ =	shalt  }
0x68: {  	_ =	shalt  }
0x69: {  	_ =	shalt  }
0x6a: {  	_ =	shalt  }
0x6b: {  	_ =	shalt  }
0x6c: {  	_ =	shalt  }
0x6d: {  	_ =	shalt  }
0x6e: {  	_ =	shalt  }
0x6f: {  	_ =	shalt  }
0x70: {  	_ =	shalt  }
0x71: {  	_ =	shalt  }
0x72: {  	_ =	shalt  }
0x73: {  	_ =	shalt  }
0x74: {  	_ =	shalt  }
0x75: {  	_ =	shalt  }
0x76: {  	_ =	shalt  }
0x77: {  	_ =	shalt  }
0x78: {  	_ =	shalt  }
0x79: {  	_ =	shalt  }
0x7a: {  	_ =	shalt  }
0x7b: {  	_ =	shalt  }
0x7c: {  	_ =	shalt  }
0x7d: {  	_ =	shalt  }
0x7e: {  	_ =	shalt  }
0x7f: {  	_ =	shalt  }
0x80: {  	_ =	shalt  }
0x81: {  	_ =	shalt  }
0x82: {  	_ =	shalt  }
0x83: {  	_ =	shalt  }
0x84: {  	_ =	shalt  }
0x85: {  	_ =	shalt  }
0x86: {  	_ =	shalt  }
0x87: {  	_ =	shalt  }
.Lfunc_end0:
.L_simem_size_0:
called_computation_lowered:
.L_overlay_start_0:
0x88: {  	s2 =	sld [smem:$0x3FD9]  }
0x89: {  	s3 =	sld [smem:$0x3FFE];
	_ =	sdelay $0x1  }
0x8a: {  	s1 =	srdreg.scid  }
0x8b: {  	s0 =	sand.u32 $0x1, s1  }
0x8c: {  	s14 =	sshll.u32 s0, $0xA;
	s2 =	sadd.s32 s3, s2  }
0x8d: {  	s2 =	sadd.s32 s2, s14  }
0x8e: {  	[smem:$0x3FC3] =	sst s2  }
0x8f: {  	_ = 	snop  }
0x90: {  	s2 =	sld [smem:$0x3FD0];
	_ =	sdelay $0x2  }
0x91: {  	s15 =	simm.s32 $0xD;
	s4 =	simm.s32 $0x10  }
0x92: {  	[smem:s4], [sflag:s15] =	dma.local [hbm:s2], $0x1  }
0x93: {  	_ =	swait.eq [sflag:s15], $0x1  }
0x94: {  	[sflag:s15] =	ssyncset.done $0x0  }
0x95: {  	s16 =	sld [smem:$0x10];
	[sflag:s15] =	ssyncadd.s32 $0xFFFFFFFF  }
0x96: {  	s17 =	sld [smem:$0x11];
	(tm) =	ssettm $0x1  }
0x97: {  	s18 =	sld [smem:$0x3FFB];
	_ =	sdelay $0x3  }
0x98: {  	_ =	strace s18  }
0x99: {  	s4 =	sld [smem:$0x3FFC];
	_ =	sdelay $0x3  }
0x9a: {  	_ =	strace s4  }
0x9b: {  	s4 =	sld [smem:$0x3FFD];
	_ =	sdelay $0x3  }
0x9c: {  	_ =	strace s4  }
0x9d: {  	_ =	strace $0x8FFFFFFF  }
0x9e: {  	s19 =	sld [smem:$0x3FDB];
	_ =	sdelay $0x1  }
0x9f: {  	s5 =	simm.s32 $_scs_section_size  }
0xa0: {  	s6 =	simm.s32 $_size__tile_overlayer_lowered;
	s7 =	simm.s32 $_tile_overlayer_lowered  }
0xa1: {  	s22 =	simm.s32 $0x1BFF;
	s21 =	sshll.u32 s7, $0x1;
	s4 =	sadd.s32 s5, s19  }
0xa2: {  	s8 =	simm.s32 $0x0;
	s20 =	sshll.u32 s6, $0x1;
	s6 =	sadd.s32 s21, s4  }
0xa3: {  	[timem:s8], [sflag:s22] =	dma.local [hbm:s6], s20  }
0xa4: {  	_ =	swait.ge [sflag:s22], s20  }
0xa5: {  	s5 =	ssub.s32 $0x0, s20;
	[sflag:s22] =	ssyncset.done $0x0  }
0xa6: {  	[sflag:s22] =	ssyncadd.s32 s5;
	_ =	sdelay $0x1  }
0xa7: {  	s23 =	simm.s32 $0x1B8B  }
0xa8: {  	_ =	swait.ge [sflag:s23], $0x1  }
0xa9: {  	[sflag:s23] =	ssyncset.done $0x0  }
0xaa: {  	s25 =	simm.s32 $0x1B8E;
	s24 =	sld [smem:$0x3FFE];
	[sflag:s23] =	ssyncadd.s32 $0xFFFFFFFF  }
0xab: {  	s26 =	simm.s32 $execute0_lowered;
	[smem:$0x3FD2] =	sst s25  }
0xac: {  	s6 =	sshll.u32 s26, $0x1;
	_ =	strace $0x80000046;
	[dreg:$0x1] =	wrdreg $0xFFFFFFFF  }
0xad: {  	s28 =	simm.s32 $_size_execute0_lowered;
	s4 =	sadd.s32 s4, s6;
	[dreg:$0x0] =	wrdreg $0x0  }
0xae: {  	s6 =	sshll.u32 s28, $0x1;
	[dreg:$0x2] =	wrdreg s4  }
0xaf: {  	[dreg:$0x3] =	wrdreg s6  }
0xb0: {  	[dreg:$0x4] =	wrdreg $0xC0  }
0xb1: {  	_ =	task [dreg:s8], $0x5FFFF  }
0xb2: {  	[dreg:$0x1] =	wrdreg $0xFFFFFFFF  }
0xb3: {  	[dreg:$0x0] =	wrdreg $0x60  }
0xb4: {  	[dreg:$0x2] =	wrdreg s24  }
0xb5: {  	[dreg:$0x3] =	wrdreg s16  }
0xb6: {  	[dreg:$0x4] =	wrdreg s17  }
0xb7: {  	[dreg:$0x5] =	wrdreg $0x9  }
0xb8: {  	_ =	task.clear_ibuf [dreg:s8], $0x6FFFF;
	_ =	strace $0x90000046  }
0xb9: {  	s29 =	simm.s32 $0x9;
	_ =	strace $0x80000048  }
0xba: {  	_ =	swait.ge [sflag:s29], $0x1  }
0xbb: {  	[sflag:s29] =	ssyncadd.s32 $0xFFFFFFFF  }
0xbc: {  	_ =	strace $0x90000048  }
0xbd: {  	_ =	sfence  }
0xbe: {  	s30 =	sld [smem:$0x0];
	_ =	sdelay $0x2  }
0xbf: {  	s31 =	sshll.u32 s1, $0xD;
	s1 =	sshrl.u32 s1, $0x2  }
0xc0: {  	s3 =	sand.u32 $0x4000, s31;
	s1 =	sadd.s32 s1, s30  }
0xc1: {  	s0 =	sor.u32 s3, s0;
	s1 =	sshll.u32 s1, $0x11  }
0xc2: {  	s0 =	sor.u32 s1, s0  }
0xc3: {  	s0 =	sadd.s32 $0x8F2B, s0  }
0xc4: {  	[sflag:s0] =	ssyncadd.remote.s32 $0x1  }
0xc5: {  	_ =	sfence.sel $0xFFFF  }
0xc6: {  	[dreg:$0x0] =	wrdreg $0xFFFFFFFF;
	(pc) =	sbr.abs _section_cstart, $3  }
0xc7: {  	[dreg:$0x1] =	wrdreg $0xFFFFFFFF  }
0xc8: {  	_ =	task.clear_ibuf [dreg:s8], $0x2FFFF;
	_ =	strace $0x9FFFFFFF  }
0xc9: {  	(tm) =	ssettm $0x7FFFFFFF  }
tec
execute0_lowered:
.L_overlay_start_1:
0x0: {  	(tag) =	ssettag $0x1  }
0x1: {  	s3 =	rddreg [dreg:$0x0]  }
0x2: {  	s1 =	srdreg.scid;
	s4 =	rddreg [dreg:$0x1]  }
0x3: {  	s0 =	stileid.u32;
	s9 =	rddreg [dreg:$0x2]  }
0x4: {  	s2 =	simm.s32 $0x0;
	s15 =	simm.s32 $0x1;
	s16 =	simm.s32 $0x2  }
0x5: {  	s17 =	simm.s32 $0xB80;
	s18 =	simm.s32 $0xC00;
	s25 =	smul.u32 $0xC8000, s0  }
0x6: {  	s19 =	simm.s32 $0x0;
	s7 =	sand.u32 $0x1, s1;
	s14 =	smul.u32 $0x19000, s0  }
0x7: {  	s24 =	sshll.u32 s0, $0x1;
	s1 =	rddreg [dreg:$0x3];
	s29 =	smul.u32 $0x64000, s7  }
0x8: {  	[smem:$0x7FF] =	sst s2;
	s5 =	sor.u32 s7, s24;
	s30 =	smul.u32 $0xC800, s7  }
0x9: {  	s3 =	sadd.s32 $0x1A00, s3;
	s8 =	ssub.s32 $0x2, s7;
	s6 =	smul.u32 $0xC80, s5  }
0xa: {  	_ =	strace $0x80000047;
	s10 =	smul.u32 $0x64000, s5;
	s11 =	sshrl.u32 s8, $0x1  }
0xb: {  	s12 =	smul.u32 $0xC800, s5;
	s31 =	sadd.s32 s14, s9;
	s14 =	simm.s32 $0x4C80  }
0xc: {  	s8 =	ssub.s32 s8, s11;
	s11 =	sadd.s32 s30, s31;
	s26 =	sshrl.u32 s6, $0x3  }
0xd: {  	s28 =	sshrl.u32 s10, $0x3;
	s6 =	smax.u32 s8, $0x1;
	s10 =	sadd.s32 s29, s25  }
0xe: {  	s12 =	sadd.s32 s9, s12;
	s4 =	sadd.s32 s4, s26;
	s13 =	sadd.s32 s9, s28  }
0xf: {  	s10 =	sshrl.u32 s10, $0x3;
	s8 =	sadd.s32 $0xB800, s12;
	s12 =	simm.s32 $0x80  }
0x10: {  	s5 =	sadd.s32 $0xC000, s13;
	s7 =	sadd.s32 $0xB000, s13;
	s9 =	sadd.s32 s10, s9  }
0x11: {  	s10 =	sadd.s32 $0x800, s11;
	s11 =	simm.s32 $0x3;
	s13 =	simm.s32 $0xC80  }
.LBB2_1:
0x12: {  	[tilespmem:s2], [sflag:$0x3] =	stream.linear.gather [hbm4b:s4+s2], $0xC80, $0x38;
	[tilespmem:$0x8C80] =	vst v63  }
0x13: {  	_ =	swait.ge [sflag:s11], $0xC80  }
0x14: {  	[sflag:s11] =	ssyncset.done $0x0  }
0x15: {  	[sflag:s11] =	ssyncadd.s32 $0xFFFFF380  }
0x16: {  	[tilespmem:s13], [sflag:$0x1] =	stream.indirect.gather [hbm4b:s3+s12], $0x80, s2, s12, $0xb8;
	[tilespmem:$0x8C80] =	vst v63  }
0x17: {  	s20 =	simm.s32 $0x80  }
0x18: {  	[tilespmem:s14], [sflag:$0x2] =	stream.indirect.gather [hbm4b:s3+s12], $0x80, s20, s12, $0xb8;
	[tilespmem:$0x8C80] =	vst v63  }
0x19: {  	_ =	swait.ge [sflag:s15], $0x4000  }
0x1a: {  	[sflag:s15] =	ssyncset.done $0x0  }
0x1b: {  	s29 =	sadd.s32 $0x0, s9;
	[sflag:s15] =	ssyncadd.s32 $0xFFFFC000  }
0x1c: {  	[hbm4b:s29+s2] =	stream.linear.scatter [tilespmem:s13], [sflag:$0x3], $0x4000, $0x38;
	[tilespmem:$0x8C80] =	vst v63  }
0x1d: {  	_ =	swait.ge [sflag:s11], $0x4000  }
0x1e: {  	[sflag:s11] =	ssyncset.done $0x0  }
0x1f: {  	s30 =	simm.s32 $0x100;
	[sflag:s11] =	ssyncadd.s32 $0xFFFFC000  }
0x20: {  	[tilespmem:s13], [sflag:$0x1] =	stream.indirect.gather [hbm4b:s3+s12], $0x80, s30, s12, $0xb8;
	[tilespmem:$0x8C80] =	vst v63  }
0x21: {  	_ =	swait.ge [sflag:s16], $0x4000  }
0x22: {  	[sflag:s16] =	ssyncset.done $0x0  }
0x23: {  	s31 =	sadd.s32 $0x0, s10;
	[sflag:s16] =	ssyncadd.s32 $0xFFFFC000  }
0x24: {  	[hbm4b:s31+s2] =	stream.linear.scatter [tilespmem:s14], [sflag:$0x3], $0x4000, $0x38;
	[tilespmem:$0x8C80] =	vst v63  }
0x25: {  	s22 =	simm.s32 $0x2000;
	_ =	swait.ge [sflag:s11], $0x4000  }
0x26: {  	s21 =	simm.s32 $0x200;
	s20 =	simm.s32 $0x1000;
	[sflag:s11] =	ssyncset.done $0x0  }
.LBB2_2:
0x27: {  	p0 =	sne.s32 s22, $0xA000;
	s23 =	sadd.s32 $0xFFFFFF80, s21;
	[sflag:s11] =	ssyncadd.s32 $0xFFFFC000  }
0x28: {  	[tilespmem:s14], [sflag:$0x2] =	stream.indirect.gather [hbm4b:s3+s12], $0x80, s23, s12, $0xb8;
	[tilespmem:$0x8C80] =	vst v63  }
0x29: {  	s23 =	smov.u32 s22;
	s22 =	sadd.s32 $0x1000, s22;
	_ =	swait.ge [sflag:s15], $0x4000  }
0x2a: {  	[sflag:s15] =	ssyncset.done $0x0  }
0x2b: {  	s24 =	sadd.s32 s20, s9;
	[sflag:s15] =	ssyncadd.s32 $0xFFFFC000  }
0x2c: {  	[hbm4b:s24+s2] =	stream.linear.scatter [tilespmem:s13], [sflag:$0x3], $0x4000, $0x38;
	[tilespmem:$0x8C80] =	vst v63  }
0x2d: {  	_ =	swait.ge [sflag:s11], $0x4000  }
0x2e: {  	[sflag:s11] =	ssyncset.done $0x0  }
0x2f: {  	[sflag:s11] =	ssyncadd.s32 $0xFFFFC000  }
0x30: {  	[tilespmem:s13], [sflag:$0x1] =	stream.indirect.gather [hbm4b:s3+s12], $0x80, s21, s12, $0xb8;
	[tilespmem:$0x8C80] =	vst v63  }
0x31: {  	_ =	swait.ge [sflag:s16], $0x4000  }
.Ltmp0:
0x32: {  	[sflag:s16] =	ssyncset.done $0x0;
	(pc) =	sbr.rel @p0 .LBB2_2-.Ltmp0, $4  }
0x33: {  	s24 =	sadd.s32 s20, s10;
	s20 =	smov.u32 s23;
	[sflag:s16] =	ssyncadd.s32 $0xFFFFC000  }
0x34: {  	[hbm4b:s24+s2] =	stream.linear.scatter [tilespmem:s14], [sflag:$0x3], $0x4000, $0x38;
	[tilespmem:$0x8C80] =	vst v63  }
0x35: {  	_ =	swait.ge [sflag:s11], $0x4000  }
0x36: {  	s21 =	sadd.s32 $0x100, s21;
	[sflag:s11] =	ssyncset.done $0x0  }
0x37: {  	s22 =	sadd.s32 $0xFFFFFF80, s21;
	[sflag:s11] =	ssyncadd.s32 $0xFFFFC000  }
0x38: {  	[tilespmem:s14], [sflag:$0x2] =	stream.indirect.gather [hbm4b:s3+s12], $0x80, s22, s12, $0xb8;
	[tilespmem:$0x8C80] =	vst v63  }
0x39: {  	_ =	swait.ge [sflag:s15], $0x4000  }
0x3a: {  	[sflag:s15] =	ssyncset.done $0x0  }
0x3b: {  	s30 =	sadd.s32 s20, s9;
	[sflag:s15] =	ssyncadd.s32 $0xFFFFC000  }
0x3c: {  	[hbm4b:s30+s2] =	stream.linear.scatter [tilespmem:s13], [sflag:$0x3], $0x4000, $0x38;
	[tilespmem:$0x8C80] =	vst v63  }
0x3d: {  	_ =	swait.ge [sflag:s11], $0x4000  }
0x3e: {  	[sflag:s11] =	ssyncset.done $0x0  }
0x3f: {  	[sflag:s11] =	ssyncadd.s32 $0xFFFFC000  }
0x40: {  	[tilespmem:s13], [sflag:$0x1] =	stream.indirect.gather [hbm4b:s3+s12], $0x80, s21, s12, $0xb8;
	[tilespmem:$0x8C80] =	vst v63  }
0x41: {  	_ =	swait.ge [sflag:s16], $0x4000  }
0x42: {  	[sflag:s16] =	ssyncset.done $0x0  }
0x43: {  	s31 =	sadd.s32 s20, s10;
	[sflag:s16] =	ssyncadd.s32 $0xFFFFC000  }
0x44: {  	[hbm4b:s31+s2] =	stream.linear.scatter [tilespmem:s14], [sflag:$0x3], $0x4000, $0x38;
	[tilespmem:$0x8C80] =	vst v63  }
0x45: {  	_ =	swait.ge [sflag:s11], $0x4000  }
0x46: {  	[sflag:s11] =	ssyncset.done $0x0  }
0x47: {  	[sflag:s11] =	ssyncadd.s32 $0xFFFFC000  }
0x48: {  	[tilespmem:s14], [sflag:$0x2] =	stream.indirect.gather [hbm4b:s3+s12], $0x80, s17, s12, $0xb8;
	[tilespmem:$0x8C80] =	vst v63  }
0x49: {  	_ =	swait.ge [sflag:s15], $0x4000  }
0x4a: {  	[sflag:s15] =	ssyncset.done $0x0  }
0x4b: {  	[sflag:s15] =	ssyncadd.s32 $0xFFFFC000  }
0x4c: {  	[hbm4b:s7+s2] =	stream.linear.scatter [tilespmem:s13], [sflag:$0x3], $0x4000, $0x38;
	[tilespmem:$0x8C80] =	vst v63  }
0x4d: {  	_ =	swait.ge [sflag:s11], $0x4000  }
0x4e: {  	[sflag:s11] =	ssyncset.done $0x0  }
0x4f: {  	[sflag:s11] =	ssyncadd.s32 $0xFFFFC000  }
0x50: {  	_ =	swait.ge [sflag:s16], $0x4000  }
0x51: {  	[sflag:s16] =	ssyncset.done $0x0  }
0x52: {  	[sflag:s16] =	ssyncadd.s32 $0xFFFFC000  }
0x53: {  	[hbm4b:s8+s2] =	stream.linear.scatter [tilespmem:s14], [sflag:$0x3], $0x4000, $0x38;
	[tilespmem:$0x8C80] =	vst v63  }
0x54: {  	_ =	swait.ge [sflag:s11], $0x4000  }
0x55: {  	[sflag:s11] =	ssyncset.done $0x0  }
0x56: {  	[sflag:s11] =	ssyncadd.s32 $0xFFFFC000  }
0x57: {  	[tilespmem:s13], [sflag:$0x1] =	stream.indirect.gather [hbm4b:s3+s12], $0x80, s18, s12, $0xb8;
	[tilespmem:$0x8C80] =	vst v63  }
0x58: {  	s19 =	sadd.s32 $0x1, s19;
	_ =	swait.ge [sflag:s15], $0x4000  }
0x59: {  	p0 =	sne.s32 s19, s6;
	[sflag:s15] =	ssyncset.done $0x0  }
.Ltmp1:
0x5a: {  	[sflag:s15] =	ssyncadd.s32 $0xFFFFC000;
	(pc) =	sbr.rel @p0 .LBB2_1-.Ltmp1, $4  }
0x5b: {  	[hbm4b:s5+s2] =	stream.linear.scatter [tilespmem:s13], [sflag:$0x3], $0x4000, $0x38;
	[tilespmem:$0x8C80] =	vst v63  }
0x5c: {  	_ =	swait.ge [sflag:s11], $0x4000  }
0x5d: {  	[sflag:s11] =	ssyncset.done $0x0  }
0x5e: {  	[sflag:s11] =	ssyncadd.s32 $0xFFFFC000  }
0x5f: {  	_ =	sfence.sel $0x180000  }
0x60: {  	[bflag:$0x0] =	sbarrier.arrive $0xFFFF  }
0x61: {  	p0 =	sne.s32 s0, $0x0;
	_ =	strace $0x90000047  }
0x62: {  	s0 =	sadd.s32 @!p0 $0x100000, s1;
	[bflag:$0x2] =	sbarrier.arrive $0xFFFF  }
0x63: {  	[sflag:s0] =	ssyncadd.tile.s32 @!p0 $0x1;
	_ =	shalt  }
.Lfunc_end2:
_tile_overlayer_lowered:
.L_overlay_start_2:
0x64: {  	(tag) =	ssettag $0x2  }
0x65: {  	s0 =	rddreg [dreg:$0x0];
	s2 =	stileid.u32  }
0x66: {  	s1 =	rddreg [dreg:$0x1];
	p0 =	sne.s32 s2, $0x0  }
0x67: {  	s3 =	rddreg [dreg:$0x2];
	[bflag:$0x3] =	sbarrier.arrive $0xFFFF;
	s2 =	simm.s32 @!p0 $0x1C03  }
0x68: {  	[timem:s3], [sflag:s2] =	dma.local @!p0 [hbm:s0], s1  }
0x69: {  	s0 =	simm.s32 @!p0 $0x3  }
0x6a: {  	_ =	swait.ge @!p0 [sflag:s0], s1  }
0x6b: {  	s1 =	ssub.s32 @!p0 $0x0, s1;
	[sflag:s0] =	ssyncset.done @!p0 $0x0  }
0x6c: {  	[sflag:s0] =	ssyncadd.s32 @!p0 s1  }
0x6d: {  	[bflag:$0x3] =	sbarrier.arrive $0xFFFF  }
0x6e: {  	_ =	shalt  }

// kernel: kernel.14.cloned.1.call-start
scs
__scs_entry_jumppad:
0x0: {  	(pc) =	sbr.rel $0x88, $3  }
0x1: {  	(tag) =	ssettag $0x0;
	lr =	simm.s32 $0x1  }
0x2: {  	[smem:$0x3F9C] =	sst lr;
	_ =	strace $0xD0000000  }
0x3: {  	_ = 	snop  }
0x4: {  	_ = 	snop  }
0x5: {  	_ = 	snop  }
0x6: {  	_ = 	snop  }
0x7: {  	_ = 	snop  }
__scs_overlays_trampoline_lowered:
0x8: {  	[smem:$0x3FAB] =	sst s0  }
0x9: {  	[smem:$0x3FAC] =	sst s1  }
0xa: {  	[smem:$0x3FAD] =	sst s2  }
0xb: {  	[smem:$0x3FAE] =	sst s3  }
0xc: {  	[smem:$0x3FAF] =	sst s4  }
0xd: {  	[smem:$0x3FB0] =	sst s5  }
0xe: {  	[smem:$0x3FB1] =	sst s6  }
0xf: {  	[smem:$0x3FB2] =	sst s7  }
0x10: {  	[smem:$0x3FB3] =	sst s8  }
0x11: {  	[smem:$0x3FB4] =	sst s9;
	s0 =	simm.s32 @!p0 $0x0  }
0x12: {  	s1 =	sld [smem:$0x3F9A];
	s0 =	simm.s32 @p0 $0x1  }
0x13: {  	[smem:$0x3FB5] =	sst s0;
	s0 =	simm.s32 @!p1 $0x0  }
0x14: {  	s2 =	sld [smem:$0x3F99];
	s0 =	simm.s32 @p1 $0x1  }
0x15: {  	[smem:$0x3FB6] =	sst s0;
	s0 =	simm.s32 @!p2 $0x0  }
0x16: {  	s3 =	sld [smem:$0x3FDB];
	s0 =	simm.s32 @p2 $0x1  }
0x17: {  	s4 =	simm.s32 $0x1BF5;
	[smem:$0x3FB8] =	sst s0  }
0x18: {  	s0 =	sld [smem:$0x3F9B];
	_ =	swait.ge [sflag:s4], $0x0  }
0x19: {  	s7 =	sld [smem:$0x3F9C]  }
0x1a: {  	s8 =	sadd.s32 $0xFFFFE003, lr  }
0x1b: {  	s9 =	sadd.s32 $0xFFFFFEF7, lr;
	s5 =	simm.s32 $0xFFFFFFFF;
	p2 =	slt.u32 s8, $0xFFFFF086  }
0x1c: {  	p1 =	slt.u32 s9, $0xF7A;
	s5 =	simm.s32 @!p2 $0x0  }
0x1d: {  	s5 =	simm.s32 @p1 $0x1;
	p0 =	seq.s32 s7, s2  }
0x1e: {  	s7 =	smul.u32 @!p0 $0xF7A, s2;
	p2 =	seq.s32 @!p0 s5, $0x0  }
0x1f: {  	s9 =	smul.u32 $0xF7A, s1;
	s8 =	simm.s32 @!p0 $0x1BF5;
	p2 =	por !p2, p0  }
0x20: {  	[sflag:s8] =	ssyncset.s32 @!p0 $0xFFFFF086;
	s6 =	sadd.s32 @!p0 s3, s7;
	s7 =	simm.s32 @!p0 $0x108  }
0x21: {  	s3 =	sadd.s32 s3, s9;
	s6 =	sadd.s32 @!p0 $0x88, s6;
	s7 =	simm.s32 @p2 $0x1082  }
0x22: {  	[simem:s7], [sflag:s8] =	dma.local @!p0 [hbm:s6], $0xF7A  }
0x23: {  	s9 =	sor.u32 $0xD0000000, s2;
	s6 =	simm.s32 $0x108;
	_ =	swait.ge @!p0 [sflag:s8], $0x0  }
0x24: {  	s3 =	sadd.s32 $0x88, s3;
	s6 =	simm.s32 @!p1 $0x1082;
	[sflag:s4] =	ssyncset.s32 $0xFFFFF086  }
0x25: {  	[simem:s6], [sflag:s4] =	dma.local [hbm:s3], $0xF7A  }
0x26: {  	[smem:$0x3F9C] =	sst s1;
	(tag) =	ssettag s2;
	_ =	strace s9  }
0x27: {  	s1 =	sld [smem:$0x3FAC]  }
0x28: {  	s2 =	sld [smem:$0x3FAD]  }
0x29: {  	s4 =	sld [smem:$0x3FAF]  }
0x2a: {  	p0 =	seq.s32 s5, $0x0;
	s5 =	sld [smem:$0x3FB0]  }
0x2b: {  	s6 =	sld [smem:$0x3FB1]  }
0x2c: {  	s7 =	sld [smem:$0x3FB2]  }
0x2d: {  	s3 =	simm.s32 $0x108;
	s8 =	sld [smem:$0x3FB3]  }
0x2e: {  	s3 =	simm.s32 @!p0 $0x1082;
	s9 =	sld [smem:$0x3FB4]  }
0x2f: {  	lr =	sadd.s32 s0, s3;
	s0 =	sld [smem:$0x3FAB]  }
0x30: {  	s3 =	sld [smem:$0x3FAE]  }
0x31: {  	[smem:$0x3FB7] =	sst s10  }
0x32: {  	s10 =	sld [smem:$0x3FB5];
	_ =	sdelay $0x3  }
0x33: {  	p0 =	seq.s32 s10, $0x1;
	s10 =	sld [smem:$0x3FB7];
	_ =	sdelay $0x3  }
0x34: {  	[smem:$0x3FB7] =	sst s10  }
0x35: {  	s10 =	sld [smem:$0x3FB6];
	_ =	sdelay $0x3  }
0x36: {  	p1 =	seq.s32 s10, $0x1;
	s10 =	sld [smem:$0x3FB7];
	_ =	sdelay $0x3  }
0x37: {  	[smem:$0x3FB7] =	sst s10  }
0x38: {  	s10 =	sld [smem:$0x3FB8]  }
0x39: {  	_ = 	snop;
	(pc) =	sbr.ind lr, $3  }
0x3a: {  	_ = 	snop  }
0x3b: {  	_ = 	snop  }
0x3c: {  	p2 =	seq.s32 s10, $0x1;
	s10 =	sld [smem:$0x3FB7]  }
0x3d: {  	_ =	shalt  }
0x3e: {  	_ =	shalt  }
0x3f: {  	_ =	shalt  }
0x40: {  	_ =	shalt  }
0x41: {  	_ =	shalt  }
0x42: {  	_ =	shalt  }
0x43: {  	_ =	shalt  }
0x44: {  	_ =	shalt  }
0x45: {  	_ =	shalt  }
0x46: {  	_ =	shalt  }
0x47: {  	_ =	shalt  }
0x48: {  	_ =	shalt  }
0x49: {  	_ =	shalt  }
0x4a: {  	_ =	shalt  }
0x4b: {  	_ =	shalt  }
0x4c: {  	_ =	shalt  }
0x4d: {  	_ =	shalt  }
0x4e: {  	_ =	shalt  }
0x4f: {  	_ =	shalt  }
0x50: {  	_ =	shalt  }
0x51: {  	_ =	shalt  }
0x52: {  	_ =	shalt  }
0x53: {  	_ =	shalt  }
0x54: {  	_ =	shalt  }
0x55: {  	_ =	shalt  }
0x56: {  	_ =	shalt  }
0x57: {  	_ =	shalt  }
0x58: {  	_ =	shalt  }
0x59: {  	_ =	shalt  }
0x5a: {  	_ =	shalt  }
0x5b: {  	_ =	shalt  }
0x5c: {  	_ =	shalt  }
0x5d: {  	_ =	shalt  }
0x5e: {  	_ =	shalt  }
0x5f: {  	_ =	shalt  }
0x60: {  	_ =	shalt  }
0x61: {  	_ =	shalt  }
0x62: {  	_ =	shalt  }
0x63: {  	_ =	shalt  }
0x64: {  	_ =	shalt  }
0x65: {  	_ =	shalt  }
0x66: {  	_ =	shalt  }
0x67: {  	_ =	shalt  }
0x68: {  	_ =	shalt  }
0x69: {  	_ =	shalt  }
0x6a: {  	_ =	shalt  }
0x6b: {  	_ =	shalt  }
0x6c: {  	_ =	shalt  }
0x6d: {  	_ =	shalt  }
0x6e: {  	_ =	shalt  }
0x6f: {  	_ =	shalt  }
0x70: {  	_ =	shalt  }
0x71: {  	_ =	shalt  }
0x72: {  	_ =	shalt  }
0x73: {  	_ =	shalt  }
0x74: {  	_ =	shalt  }
0x75: {  	_ =	shalt  }
0x76: {  	_ =	shalt  }
0x77: {  	_ =	shalt  }
0x78: {  	_ =	shalt  }
0x79: {  	_ =	shalt  }
0x7a: {  	_ =	shalt  }
0x7b: {  	_ =	shalt  }
0x7c: {  	_ =	shalt  }
0x7d: {  	_ =	shalt  }
0x7e: {  	_ =	shalt  }
0x7f: {  	_ =	shalt  }
0x80: {  	_ =	shalt  }
0x81: {  	_ =	shalt  }
0x82: {  	_ =	shalt  }
0x83: {  	_ =	shalt  }
0x84: {  	_ =	shalt  }
0x85: {  	_ =	shalt  }
0x86: {  	_ =	shalt  }
0x87: {  	_ =	shalt  }
.Lfunc_end0:
.L_simem_size_0:
called_computation.1_lowered:
.L_overlay_start_0:
0x88: {  	s2 =	sld [smem:$0x3FD9]  }
0x89: {  	s3 =	sld [smem:$0x3FFE];
	_ =	sdelay $0x1  }
0x8a: {  	s1 =	srdreg.scid  }
0x8b: {  	s0 =	sand.u32 $0x1, s1  }
0x8c: {  	s17 =	sshll.u32 s0, $0xA;
	s2 =	sadd.s32 s3, s2  }
0x8d: {  	s2 =	sadd.s32 s2, s17  }
0x8e: {  	[smem:$0x3FC3] =	sst s2  }
0x8f: {  	_ = 	snop  }
0x90: {  	(tm) =	ssettm $0x1  }
0x91: {  	s18 =	sld [smem:$0x3FFB];
	_ =	sdelay $0x3  }
0x92: {  	_ =	strace s18  }
0x93: {  	s2 =	sld [smem:$0x3FFC];
	_ =	sdelay $0x3  }
0x94: {  	_ =	strace s2  }
0x95: {  	s2 =	sld [smem:$0x3FFD];
	_ =	sdelay $0x3  }
0x96: {  	_ =	strace s2  }
0x97: {  	_ =	strace $0x8FFFFFFF  }
0x98: {  	s19 =	sld [smem:$0x3FDB];
	_ =	sdelay $0x1  }
0x99: {  	s20 =	simm.s32 $_scs_section_size  }
0x9a: {  	s4 =	simm.s32 $_size__tile_overlayer_lowered;
	s5 =	simm.s32 $_tile_overlayer_lowered  }
0x9b: {  	s6 =	simm.s32 $0x1BFF;
	s21 =	sshll.u32 s5, $0x1;
	s3 =	sadd.s32 s20, s19  }
0x9c: {  	s22 =	simm.s32 $0x0;
	s4 =	sshll.u32 s4, $0x1;
	s5 =	sadd.s32 s21, s3  }
0x9d: {  	[timem:s22], [sflag:s6] =	dma.local [hbm:s5], s4  }
0x9e: {  	_ =	swait.ge [sflag:s6], s4  }
0x9f: {  	s4 =	ssub.s32 $0x0, s4;
	[sflag:s6] =	ssyncset.done $0x0  }
0xa0: {  	[sflag:s6] =	ssyncadd.s32 s4;
	_ =	sdelay $0x1  }
0xa1: {  	s23 =	simm.s32 $0x1B8B  }
0xa2: {  	_ =	swait.ge [sflag:s23], $0x1  }
0xa3: {  	[sflag:s23] =	ssyncset.done $0x0  }
0xa4: {  	[sflag:s23] =	ssyncadd.s32 $0xFFFFFFFF  }
0xa5: {  	s4 =	sld [smem:$0x0]  }
0xa6: {  	s5 =	sand.u32 $0xFFFFFFFE, s1  }
0xa7: {  	p0 =	sne.s32 s1, s5  }
0xa8: {  	s5 =	sshll.u32 @p0 s5, $0xE  }
0xa9: {  	s5 =	sadd.s32 @p0 $0x11B8D, s5;
	s6 =	sshll.u32 @p0 s4, $0x11  }
0xaa: {  	s5 =	sor.u32 @p0 s6, s5  }
0xab: {  	[sflag:s5] =	ssyncadd.remote.s32 @p0 $0x1;
	_ =	sdelay $0x1  }
0xac: {  	s5 =	simm.s32 @p0 $0x1B8D  }
0xad: {  	_ =	swait.eq @p0 [sflag:s5], $0x1  }
0xae: {  	[sflag:s5] =	ssyncadd.s32 @p0 $0xFFFFFFFF  }
0xaf: {  	s6 =	sshll.u32 @!p0 s1, $0xE  }
0xb0: {  	s6 =	sor.u32 @!p0 $0x4000, s6;
	s5 =	simm.s32 @!p0 $0x1B8D  }
0xb1: {  	s4 =	sshll.u32 @!p0 s4, $0x11;
	s6 =	sadd.s32 @!p0 $0x11B8D, s6;
	_ =	swait.eq @!p0 [sflag:s5], $0x1  }
0xb2: {  	s4 =	sor.u32 @!p0 s4, s6;
	[sflag:s5] =	ssyncadd.s32 @!p0 $0xFFFFFFFF  }
0xb3: {  	s25 =	simm.s32 $0x1B8E;
	s24 =	sld [smem:$0x3FFE];
	[sflag:s4] =	ssyncadd.remote.s32 @!p0 $0x1  }
0xb4: {  	s26 =	simm.s32 $execute0_lowered;
	[smem:$0x3FD2] =	sst s25  }
0xb5: {  	s5 =	sshll.u32 s26, $0x1;
	_ =	strace $0x8000004C;
	[dreg:$0x1] =	wrdreg $0xFFFFFFFF  }
0xb6: {  	s28 =	simm.s32 $_size_execute0_lowered;
	s3 =	sadd.s32 s3, s5;
	[dreg:$0x0] =	wrdreg $0x0  }
0xb7: {  	s5 =	sshll.u32 s28, $0x1;
	[dreg:$0x2] =	wrdreg s3  }
0xb8: {  	[dreg:$0x3] =	wrdreg s5  }
0xb9: {  	[dreg:$0x4] =	wrdreg $0xC0  }
0xba: {  	_ =	task [dreg:s22], $0x5FFFF  }
0xbb: {  	[dreg:$0x1] =	wrdreg $0xFFFFFFFF  }
0xbc: {  	[dreg:$0x0] =	wrdreg $0x60  }
0xbd: {  	[dreg:$0x2] =	wrdreg s24  }
0xbe: {  	[dreg:$0x3] =	wrdreg $0xA  }
0xbf: {  	_ =	task.clear_ibuf [dreg:s22], $0x4FFFF;
	_ =	strace $0x9000004C  }
0xc0: {  	s29 =	simm.s32 $0xA;
	_ =	strace $0x8000004E  }
0xc1: {  	_ =	swait.ge [sflag:s29], $0x1  }
0xc2: {  	[sflag:s29] =	ssyncadd.s32 $0xFFFFFFFF  }
0xc3: {  	_ =	strace $0x9000004E  }
0xc4: {  	_ =	sfence  }
0xc5: {  	s30 =	sld [smem:$0x0];
	_ =	sdelay $0x2  }
0xc6: {  	s31 =	sshll.u32 s1, $0xD;
	s1 =	sshrl.u32 s1, $0x2  }
0xc7: {  	s4 =	sand.u32 $0x4000, s31;
	s1 =	sadd.s32 s1, s30  }
0xc8: {  	s0 =	sor.u32 s4, s0;
	s1 =	sshll.u32 s1, $0x11  }
0xc9: {  	s0 =	sor.u32 s1, s0  }
0xca: {  	s0 =	sadd.s32 $0x8F2B, s0  }
0xcb: {  	[sflag:s0] =	ssyncadd.remote.s32 $0x1  }
0xcc: {  	_ =	sfence.sel $0xFFFF  }
0xcd: {  	[dreg:$0x0] =	wrdreg $0xFFFFFFFF;
	(pc) =	sbr.abs _section_cstart, $3  }
0xce: {  	[dreg:$0x1] =	wrdreg $0xFFFFFFFF  }
0xcf: {  	_ =	task.clear_ibuf [dreg:s22], $0x2FFFF;
	_ =	strace $0x9FFFFFFF  }
0xd0: {  	(tm) =	ssettm $0x7FFFFFFF  }
0xd1: {  	_ =	shalt  }
tec
execute0_lowered:
.L_overlay_start_1:
0x0: {  	(tag) =	ssettag $0x1  }
0x1: {  	s1 =	srdreg.scid;
	s0 =	stileid.u32  }
0x2: {  	s4 =	rddreg [dreg:$0x0];
	s2 =	simm.s32 $0x0;
	s15 =	simm.s32 $0x1  }
0x3: {  	s16 =	simm.s32 $0x2;
	s17 =	simm.s32 $0xB80;
	s12 =	smul.u32 $0xC8000, s0  }
0x4: {  	s18 =	simm.s32 $0xC00;
	s7 =	sand.u32 $0x1, s1;
	s14 =	smul.u32 $0x19000, s0  }
0x5: {  	s19 =	simm.s32 $0x0;
	s3 =	sshll.u32 s0, $0x1;
	s28 =	smul.u32 $0x64000, s7  }
0x6: {  	s1 =	rddreg [dreg:$0x1];
	s5 =	sor.u32 s7, s3;
	s29 =	smul.u32 $0xC800, s7  }
0x7: {  	[smem:$0x7FF] =	sst s2;
	s11 =	sadd.s32 $0x7B7E00, s4;
	s6 =	smul.u32 $0xC80, s5  }
0x8: {  	_ =	strace $0x8000004D;
	s9 =	ssub.s32 $0x2, s7;
	s8 =	smul.u32 $0x64000, s5  }
0x9: {  	s3 =	sadd.s32 $0x1A00, s4;
	s10 =	smul.u32 $0xC800, s5;
	s25 =	sshrl.u32 s9, $0x1  }
0xa: {  	s30 =	sadd.s32 s14, s11;
	s14 =	simm.s32 $0x4C80;
	s9 =	ssub.s32 s9, s25  }
0xb: {  	s6 =	sshrl.u32 s6, $0x3;
	s26 =	sshrl.u32 s8, $0x3;
	s8 =	sadd.s32 s28, s12  }
0xc: {  	s10 =	sadd.s32 s11, s10;
	s12 =	sadd.s32 s29, s30;
	s6 =	sadd.s32 s6, s4  }
0xd: {  	s13 =	sadd.s32 s11, s26;
	s31 =	sshrl.u32 s8, $0x3;
	s8 =	sadd.s32 $0xB800, s10  }
0xe: {  	s10 =	sadd.s32 $0x800, s12;
	s12 =	simm.s32 $0x80;
	s4 =	sadd.s32 $0x7B4C00, s6  }
0xf: {  	s5 =	sadd.s32 $0xC000, s13;
	s6 =	smax.u32 s9, $0x1;
	s7 =	sadd.s32 $0xB000, s13  }
0x10: {  	s9 =	sadd.s32 s31, s11;
	s11 =	simm.s32 $0x3;
	s13 =	simm.s32 $0xC80  }
.LBB2_1:
0x11: {  	[tilespmem:s2], [sflag:$0x3] =	stream.linear.gather [hbm4b:s4+s2], $0xC80, $0x38;
	[tilespmem:$0x8C80] =	vst v63  }
0x12: {  	_ =	swait.ge [sflag:s11], $0xC80  }
0x13: {  	[sflag:s11] =	ssyncset.done $0x0  }
0x14: {  	[sflag:s11] =	ssyncadd.s32 $0xFFFFF380  }
0x15: {  	[tilespmem:s13], [sflag:$0x1] =	stream.indirect.gather [hbm4b:s3+s12], $0x80, s2, s12, $0xb8;
	[tilespmem:$0x8C80] =	vst v63  }
0x16: {  	s20 =	simm.s32 $0x80  }
0x17: {  	[tilespmem:s14], [sflag:$0x2] =	stream.indirect.gather [hbm4b:s3+s12], $0x80, s20, s12, $0xb8;
	[tilespmem:$0x8C80] =	vst v63  }
0x18: {  	_ =	swait.ge [sflag:s15], $0x4000  }
0x19: {  	[sflag:s15] =	ssyncset.done $0x0  }
0x1a: {  	s29 =	sadd.s32 $0x0, s9;
	[sflag:s15] =	ssyncadd.s32 $0xFFFFC000  }
0x1b: {  	[hbm4b:s29+s2] =	stream.linear.scatter [tilespmem:s13], [sflag:$0x3], $0x4000, $0x38;
	[tilespmem:$0x8C80] =	vst v63  }
0x1c: {  	_ =	swait.ge [sflag:s11], $0x4000  }
0x1d: {  	[sflag:s11] =	ssyncset.done $0x0  }
0x1e: {  	s30 =	simm.s32 $0x100;
	[sflag:s11] =	ssyncadd.s32 $0xFFFFC000  }
0x1f: {  	[tilespmem:s13], [sflag:$0x1] =	stream.indirect.gather [hbm4b:s3+s12], $0x80, s30, s12, $0xb8;
	[tilespmem:$0x8C80] =	vst v63  }
0x20: {  	_ =	swait.ge [sflag:s16], $0x4000  }
0x21: {  	[sflag:s16] =	ssyncset.done $0x0  }
0x22: {  	s31 =	sadd.s32 $0x0, s10;
	[sflag:s16] =	ssyncadd.s32 $0xFFFFC000  }
0x23: {  	[hbm4b:s31+s2] =	stream.linear.scatter [tilespmem:s14], [sflag:$0x3], $0x4000, $0x38;
	[tilespmem:$0x8C80] =	vst v63  }
0x24: {  	s22 =	simm.s32 $0x2000;
	_ =	swait.ge [sflag:s11], $0x4000  }
0x25: {  	s21 =	simm.s32 $0x200;
	s20 =	simm.s32 $0x1000;
	[sflag:s11] =	ssyncset.done $0x0  }
.LBB2_2:
0x26: {  	p0 =	sne.s32 s22, $0xA000;
	s23 =	sadd.s32 $0xFFFFFF80, s21;
	[sflag:s11] =	ssyncadd.s32 $0xFFFFC000  }
0x27: {  	[tilespmem:s14], [sflag:$0x2] =	stream.indirect.gather [hbm4b:s3+s12], $0x80, s23, s12, $0xb8;
	[tilespmem:$0x8C80] =	vst v63  }
0x28: {  	s23 =	smov.u32 s22;
	s22 =	sadd.s32 $0x1000, s22;
	_ =	swait.ge [sflag:s15], $0x4000  }
0x29: {  	[sflag:s15] =	ssyncset.done $0x0  }
0x2a: {  	s24 =	sadd.s32 s20, s9;
	[sflag:s15] =	ssyncadd.s32 $0xFFFFC000  }
0x2b: {  	[hbm4b:s24+s2] =	stream.linear.scatter [tilespmem:s13], [sflag:$0x3], $0x4000, $0x38;
	[tilespmem:$0x8C80] =	vst v63  }
0x2c: {  	_ =	swait.ge [sflag:s11], $0x4000  }
0x2d: {  	[sflag:s11] =	ssyncset.done $0x0  }
0x2e: {  	[sflag:s11] =	ssyncadd.s32 $0xFFFFC000  }
0x2f: {  	[tilespmem:s13], [sflag:$0x1] =	stream.indirect.gather [hbm4b:s3+s12], $0x80, s21, s12, $0xb8;
	[tilespmem:$0x8C80] =	vst v63  }
0x30: {  	_ =	swait.ge [sflag:s16], $0x4000  }
.Ltmp0:
0x31: {  	[sflag:s16] =	ssyncset.done $0x0;
	(pc) =	sbr.rel @p0 .LBB2_2-.Ltmp0, $4  }
0x32: {  	s24 =	sadd.s32 s20, s10;
	s20 =	smov.u32 s23;
	[sflag:s16] =	ssyncadd.s32 $0xFFFFC000  }
0x33: {  	[hbm4b:s24+s2] =	stream.linear.scatter [tilespmem:s14], [sflag:$0x3], $0x4000, $0x38;
	[tilespmem:$0x8C80] =	vst v63  }
0x34: {  	_ =	swait.ge [sflag:s11], $0x4000  }
0x35: {  	s21 =	sadd.s32 $0x100, s21;
	[sflag:s11] =	ssyncset.done $0x0  }
0x36: {  	s22 =	sadd.s32 $0xFFFFFF80, s21;
	[sflag:s11] =	ssyncadd.s32 $0xFFFFC000  }
0x37: {  	[tilespmem:s14], [sflag:$0x2] =	stream.indirect.gather [hbm4b:s3+s12], $0x80, s22, s12, $0xb8;
	[tilespmem:$0x8C80] =	vst v63  }
0x38: {  	_ =	swait.ge [sflag:s15], $0x4000  }
0x39: {  	[sflag:s15] =	ssyncset.done $0x0  }
0x3a: {  	s30 =	sadd.s32 s20, s9;
	[sflag:s15] =	ssyncadd.s32 $0xFFFFC000  }
0x3b: {  	[hbm4b:s30+s2] =	stream.linear.scatter [tilespmem:s13], [sflag:$0x3], $0x4000, $0x38;
	[tilespmem:$0x8C80] =	vst v63  }
0x3c: {  	_ =	swait.ge [sflag:s11], $0x4000  }
0x3d: {  	[sflag:s11] =	ssyncset.done $0x0  }
0x3e: {  	[sflag:s11] =	ssyncadd.s32 $0xFFFFC000  }
0x3f: {  	[tilespmem:s13], [sflag:$0x1] =	stream.indirect.gather [hbm4b:s3+s12], $0x80, s21, s12, $0xb8;
	[tilespmem:$0x8C80] =	vst v63  }
0x40: {  	_ =	swait.ge [sflag:s16], $0x4000  }
0x41: {  	[sflag:s16] =	ssyncset.done $0x0  }
0x42: {  	s31 =	sadd.s32 s20, s10;
	[sflag:s16] =	ssyncadd.s32 $0xFFFFC000  }
0x43: {  	[hbm4b:s31+s2] =	stream.linear.scatter [tilespmem:s14], [sflag:$0x3], $0x4000, $0x38;
	[tilespmem:$0x8C80] =	vst v63  }
0x44: {  	_ =	swait.ge [sflag:s11], $0x4000  }
0x45: {  	[sflag:s11] =	ssyncset.done $0x0  }
0x46: {  	[sflag:s11] =	ssyncadd.s32 $0xFFFFC000  }
0x47: {  	[tilespmem:s14], [sflag:$0x2] =	stream.indirect.gather [hbm4b:s3+s12], $0x80, s17, s12, $0xb8;
	[tilespmem:$0x8C80] =	vst v63  }
0x48: {  	_ =	swait.ge [sflag:s15], $0x4000  }
0x49: {  	[sflag:s15] =	ssyncset.done $0x0  }
0x4a: {  	[sflag:s15] =	ssyncadd.s32 $0xFFFFC000  }
0x4b: {  	[hbm4b:s7+s2] =	stream.linear.scatter [tilespmem:s13], [sflag:$0x3], $0x4000, $0x38;
	[tilespmem:$0x8C80] =	vst v63  }
0x4c: {  	_ =	swait.ge [sflag:s11], $0x4000  }
0x4d: {  	[sflag:s11] =	ssyncset.done $0x0  }
0x4e: {  	[sflag:s11] =	ssyncadd.s32 $0xFFFFC000  }
0x4f: {  	_ =	swait.ge [sflag:s16], $0x4000  }
0x50: {  	[sflag:s16] =	ssyncset.done $0x0  }
0x51: {  	[sflag:s16] =	ssyncadd.s32 $0xFFFFC000  }
0x52: {  	[hbm4b:s8+s2] =	stream.linear.scatter [tilespmem:s14], [sflag:$0x3], $0x4000, $0x38;
	[tilespmem:$0x8C80] =	vst v63  }
0x53: {  	_ =	swait.ge [sflag:s11], $0x4000  }
0x54: {  	[sflag:s11] =	ssyncset.done $0x0  }
0x55: {  	[sflag:s11] =	ssyncadd.s32 $0xFFFFC000  }
0x56: {  	[tilespmem:s13], [sflag:$0x1] =	stream.indirect.gather [hbm4b:s3+s12], $0x80, s18, s12, $0xb8;
	[tilespmem:$0x8C80] =	vst v63  }
0x57: {  	s19 =	sadd.s32 $0x1, s19;
	_ =	swait.ge [sflag:s15], $0x4000  }
0x58: {  	p0 =	sne.s32 s19, s6;
	[sflag:s15] =	ssyncset.done $0x0  }
.Ltmp1:
0x59: {  	[sflag:s15] =	ssyncadd.s32 $0xFFFFC000;
	(pc) =	sbr.rel @p0 .LBB2_1-.Ltmp1, $4  }
0x5a: {  	[hbm4b:s5+s2] =	stream.linear.scatter [tilespmem:s13], [sflag:$0x3], $0x4000, $0x38;
	[tilespmem:$0x8C80] =	vst v63  }
0x5b: {  	_ =	swait.ge [sflag:s11], $0x4000  }
0x5c: {  	[sflag:s11] =	ssyncset.done $0x0  }
0x5d: {  	[sflag:s11] =	ssyncadd.s32 $0xFFFFC000  }
0x5e: {  	_ =	sfence.sel $0x180000  }
0x5f: {  	[bflag:$0x0] =	sbarrier.arrive $0xFFFF  }
0x60: {  	p0 =	sne.s32 s0, $0x0;
	_ =	strace $0x9000004D  }
0x61: {  	s0 =	sadd.s32 @!p0 $0x100000, s1;
	[bflag:$0x2] =	sbarrier.arrive $0xFFFF  }
0x62: {  	[sflag:s0] =	ssyncadd.tile.s32 @!p0 $0x1;
	_ =	shalt  }
.Lfunc_end2:
_tile_overlayer_lowered:
.L_overlay_start_2:
0x63: {  	(tag) =	ssettag $0x2  }
0x64: {  	s0 =	rddreg [dreg:$0x0];
	s2 =	stileid.u32  }
0x65: {  	s1 =	rddreg [dreg:$0x1];
	p0 =	sne.s32 s2, $0x0  }
0x66: {  	s3 =	rddreg [dreg:$0x2];
	[bflag:$0x3] =	sbarrier.arrive $0xFFFF;
	s2 =	simm.s32 @!p0 $0x1C03  }
0x67: {  	[timem:s3], [sflag:s2] =	dma.local @!p0 [hbm:s0], s1  }
0x68: {  	s0 =	simm.s32 @!p0 $0x3  }
0x69: {  	_ =	swait.ge @!p0 [sflag:s0], s1  }
0x6a: {  	s1 =	ssub.s32 @!p0 $0x0, s1;
	[sflag:s0] =	ssyncset.done @!p0 $0x0  }
0x6b: {  	[sflag:s0] =	ssyncadd.s32 @!p0 s1  }
0x6c: {  	[bflag:$0x3] =	sbarrier.arrive $0xFFFF  }
0x6d: {  	_ =	shalt  }

// kernel: kernel.17.cloned.1.call-start
scs
__scs_entry_jumppad:
0x0: {  	(pc) =	sbr.rel $0x88, $3  }
0x1: {  	(tag) =	ssettag $0x0;
	lr =	simm.s32 $0x1  }
0x2: {  	[smem:$0x3F9C] =	sst lr;
	_ =	strace $0xD0000000  }
0x3: {  	_ = 	snop  }
0x4: {  	_ = 	snop  }
0x5: {  	_ = 	snop  }
0x6: {  	_ = 	snop  }
0x7: {  	_ = 	snop  }
__scs_overlays_trampoline_lowered:
0x8: {  	[smem:$0x3FAB] =	sst s0  }
0x9: {  	[smem:$0x3FAC] =	sst s1  }
0xa: {  	[smem:$0x3FAD] =	sst s2  }
0xb: {  	[smem:$0x3FAE] =	sst s3  }
0xc: {  	[smem:$0x3FAF] =	sst s4  }
0xd: {  	[smem:$0x3FB0] =	sst s5  }
0xe: {  	[smem:$0x3FB1] =	sst s6  }
0xf: {  	[smem:$0x3FB2] =	sst s7  }
0x10: {  	[smem:$0x3FB3] =	sst s8  }
0x11: {  	[smem:$0x3FB4] =	sst s9;
	s0 =	simm.s32 @!p0 $0x0  }
0x12: {  	s1 =	sld [smem:$0x3F9A];
	s0 =	simm.s32 @p0 $0x1  }
0x13: {  	[smem:$0x3FB5] =	sst s0;
	s0 =	simm.s32 @!p1 $0x0  }
0x14: {  	s2 =	sld [smem:$0x3F99];
	s0 =	simm.s32 @p1 $0x1  }
0x15: {  	[smem:$0x3FB6] =	sst s0;
	s0 =	simm.s32 @!p2 $0x0  }
0x16: {  	s3 =	sld [smem:$0x3FDB];
	s0 =	simm.s32 @p2 $0x1  }
0x17: {  	s4 =	simm.s32 $0x1BF5;
	[smem:$0x3FB8] =	sst s0  }
0x18: {  	s0 =	sld [smem:$0x3F9B];
	_ =	swait.ge [sflag:s4], $0x0  }
0x19: {  	s7 =	sld [smem:$0x3F9C]  }
0x1a: {  	s8 =	sadd.s32 $0xFFFFE003, lr  }
0x1b: {  	s9 =	sadd.s32 $0xFFFFFEF7, lr;
	s5 =	simm.s32 $0xFFFFFFFF;
	p2 =	slt.u32 s8, $0xFFFFF086  }
0x1c: {  	p1 =	slt.u32 s9, $0xF7A;
	s5 =	simm.s32 @!p2 $0x0  }
0x1d: {  	s5 =	simm.s32 @p1 $0x1;
	p0 =	seq.s32 s7, s2  }
0x1e: {  	s7 =	smul.u32 @!p0 $0xF7A, s2;
	p2 =	seq.s32 @!p0 s5, $0x0  }
0x1f: {  	s9 =	smul.u32 $0xF7A, s1;
	s8 =	simm.s32 @!p0 $0x1BF5;
	p2 =	por !p2, p0  }
0x20: {  	[sflag:s8] =	ssyncset.s32 @!p0 $0xFFFFF086;
	s6 =	sadd.s32 @!p0 s3, s7;
	s7 =	simm.s32 @!p0 $0x108  }
0x21: {  	s3 =	sadd.s32 s3, s9;
	s6 =	sadd.s32 @!p0 $0x88, s6;
	s7 =	simm.s32 @p2 $0x1082  }
0x22: {  	[simem:s7], [sflag:s8] =	dma.local @!p0 [hbm:s6], $0xF7A  }
0x23: {  	s9 =	sor.u32 $0xD0000000, s2;
	s6 =	simm.s32 $0x108;
	_ =	swait.ge @!p0 [sflag:s8], $0x0  }
0x24: {  	s3 =	sadd.s32 $0x88, s3;
	s6 =	simm.s32 @!p1 $0x1082;
	[sflag:s4] =	ssyncset.s32 $0xFFFFF086  }
0x25: {  	[simem:s6], [sflag:s4] =	dma.local [hbm:s3], $0xF7A  }
0x26: {  	[smem:$0x3F9C] =	sst s1;
	(tag) =	ssettag s2;
	_ =	strace s9  }
0x27: {  	s1 =	sld [smem:$0x3FAC]  }
0x28: {  	s2 =	sld [smem:$0x3FAD]  }
0x29: {  	s4 =	sld [smem:$0x3FAF]  }
0x2a: {  	p0 =	seq.s32 s5, $0x0;
	s5 =	sld [smem:$0x3FB0]  }
0x2b: {  	s6 =	sld [smem:$0x3FB1]  }
0x2c: {  	s7 =	sld [smem:$0x3FB2]  }
0x2d: {  	s3 =	simm.s32 $0x108;
	s8 =	sld [smem:$0x3FB3]  }
0x2e: {  	s3 =	simm.s32 @!p0 $0x1082;
	s9 =	sld [smem:$0x3FB4]  }
0x2f: {  	lr =	sadd.s32 s0, s3;
	s0 =	sld [smem:$0x3FAB]  }
0x30: {  	s3 =	sld [smem:$0x3FAE]  }
0x31: {  	[smem:$0x3FB7] =	sst s10  }
0x32: {  	s10 =	sld [smem:$0x3FB5];
	_ =	sdelay $0x3  }
0x33: {  	p0 =	seq.s32 s10, $0x1;
	s10 =	sld [smem:$0x3FB7];
	_ =	sdelay $0x3  }
0x34: {  	[smem:$0x3FB7] =	sst s10  }
0x35: {  	s10 =	sld [smem:$0x3FB6];
	_ =	sdelay $0x3  }
0x36: {  	p1 =	seq.s32 s10, $0x1;
	s10 =	sld [smem:$0x3FB7];
	_ =	sdelay $0x3  }
0x37: {  	[smem:$0x3FB7] =	sst s10  }
0x38: {  	s10 =	sld [smem:$0x3FB8]  }
0x39: {  	_ = 	snop;
	(pc) =	sbr.ind lr, $3  }
0x3a: {  	_ = 	snop  }
0x3b: {  	_ = 	snop  }
0x3c: {  	p2 =	seq.s32 s10, $0x1;
	s10 =	sld [smem:$0x3FB7]  }
0x3d: {  	_ =	shalt  }
0x3e: {  	_ =	shalt  }
0x3f: {  	_ =	shalt  }
0x40: {  	_ =	shalt  }
0x41: {  	_ =	shalt  }
0x42: {  	_ =	shalt  }
0x43: {  	_ =	shalt  }
0x44: {  	_ =	shalt  }
0x45: {  	_ =	shalt  }
0x46: {  	_ =	shalt  }
0x47: {  	_ =	shalt  }
0x48: {  	_ =	shalt  }
0x49: {  	_ =	shalt  }
0x4a: {  	_ =	shalt  }
0x4b: {  	_ =	shalt  }
0x4c: {  	_ =	shalt  }
0x4d: {  	_ =	shalt  }
0x4e: {  	_ =	shalt  }
0x4f: {  	_ =	shalt  }
0x50: {  	_ =	shalt  }
0x51: {  	_ =	shalt  }
0x52: {  	_ =	shalt  }
0x53: {  	_ =	shalt  }
0x54: {  	_ =	shalt  }
0x55: {  	_ =	shalt  }
0x56: {  	_ =	shalt  }
0x57: {  	_ =	shalt  }
0x58: {  	_ =	shalt  }
0x59: {  	_ =	shalt  }
0x5a: {  	_ =	shalt  }
0x5b: {  	_ =	shalt  }
0x5c: {  	_ =	shalt  }
0x5d: {  	_ =	shalt  }
0x5e: {  	_ =	shalt  }
0x5f: {  	_ =	shalt  }
0x60: {  	_ =	shalt  }
0x61: {  	_ =	shalt  }
0x62: {  	_ =	shalt  }
0x63: {  	_ =	shalt  }
0x64: {  	_ =	shalt  }
0x65: {  	_ =	shalt  }
0x66: {  	_ =	shalt  }
0x67: {  	_ =	shalt  }
0x68: {  	_ =	shalt  }
0x69: {  	_ =	shalt  }
0x6a: {  	_ =	shalt  }
0x6b: {  	_ =	shalt  }
0x6c: {  	_ =	shalt  }
0x6d: {  	_ =	shalt  }
0x6e: {  	_ =	shalt  }
0x6f: {  	_ =	shalt  }
0x70: {  	_ =	shalt  }
0x71: {  	_ =	shalt  }
0x72: {  	_ =	shalt  }
0x73: {  	_ =	shalt  }
0x74: {  	_ =	shalt  }
0x75: {  	_ =	shalt  }
0x76: {  	_ =	shalt  }
0x77: {  	_ =	shalt  }
0x78: {  	_ =	shalt  }
0x79: {  	_ =	shalt  }
0x7a: {  	_ =	shalt  }
0x7b: {  	_ =	shalt  }
0x7c: {  	_ =	shalt  }
0x7d: {  	_ =	shalt  }
0x7e: {  	_ =	shalt  }
0x7f: {  	_ =	shalt  }
0x80: {  	_ =	shalt  }
0x81: {  	_ =	shalt  }
0x82: {  	_ =	shalt  }
0x83: {  	_ =	shalt  }
0x84: {  	_ =	shalt  }
0x85: {  	_ =	shalt  }
0x86: {  	_ =	shalt  }
0x87: {  	_ =	shalt  }
.Lfunc_end0:
.L_simem_size_0:
called_computation.2_lowered:
.L_overlay_start_0:
0x88: {  	s2 =	sld [smem:$0x3FD9]  }
0x89: {  	s3 =	sld [smem:$0x3FFE];
	_ =	sdelay $0x1  }
0x8a: {  	s1 =	srdreg.scid  }
0x8b: {  	s0 =	sand.u32 $0x1, s1  }
0x8c: {  	s17 =	sshll.u32 s0, $0xA;
	s2 =	sadd.s32 s3, s2  }
0x8d: {  	s2 =	sadd.s32 s2, s17  }
0x8e: {  	[smem:$0x3FC3] =	sst s2  }
0x8f: {  	_ = 	snop  }
0x90: {  	(tm) =	ssettm $0x1  }
0x91: {  	s18 =	sld [smem:$0x3FFB];
	_ =	sdelay $0x3  }
0x92: {  	_ =	strace s18  }
0x93: {  	s2 =	sld [smem:$0x3FFC];
	_ =	sdelay $0x3  }
0x94: {  	_ =	strace s2  }
0x95: {  	s2 =	sld [smem:$0x3FFD];
	_ =	sdelay $0x3  }
0x96: {  	_ =	strace s2  }
0x97: {  	_ =	strace $0x8FFFFFFF  }
0x98: {  	s19 =	sld [smem:$0x3FDB];
	_ =	sdelay $0x1  }
0x99: {  	s20 =	simm.s32 $_scs_section_size  }
0x9a: {  	s4 =	simm.s32 $_size__tile_overlayer_lowered;
	s5 =	simm.s32 $_tile_overlayer_lowered  }
0x9b: {  	s6 =	simm.s32 $0x1BFF;
	s21 =	sshll.u32 s5, $0x1;
	s3 =	sadd.s32 s20, s19  }
0x9c: {  	s22 =	simm.s32 $0x0;
	s4 =	sshll.u32 s4, $0x1;
	s5 =	sadd.s32 s21, s3  }
0x9d: {  	[timem:s22], [sflag:s6] =	dma.local [hbm:s5], s4  }
0x9e: {  	_ =	swait.ge [sflag:s6], s4  }
0x9f: {  	s4 =	ssub.s32 $0x0, s4;
	[sflag:s6] =	ssyncset.done $0x0  }
0xa0: {  	[sflag:s6] =	ssyncadd.s32 s4;
	_ =	sdelay $0x1  }
0xa1: {  	s23 =	simm.s32 $0x1B8B  }
0xa2: {  	_ =	swait.ge [sflag:s23], $0x1  }
0xa3: {  	[sflag:s23] =	ssyncset.done $0x0  }
0xa4: {  	[sflag:s23] =	ssyncadd.s32 $0xFFFFFFFF  }
0xa5: {  	s4 =	sld [smem:$0x0]  }
0xa6: {  	s5 =	sand.u32 $0xFFFFFFFE, s1  }
0xa7: {  	p0 =	sne.s32 s1, s5  }
0xa8: {  	s5 =	sshll.u32 @p0 s5, $0xE  }
0xa9: {  	s5 =	sadd.s32 @p0 $0x11B8D, s5;
	s6 =	sshll.u32 @p0 s4, $0x11  }
0xaa: {  	s5 =	sor.u32 @p0 s6, s5  }
0xab: {  	[sflag:s5] =	ssyncadd.remote.s32 @p0 $0x1;
	_ =	sdelay $0x1  }
0xac: {  	s5 =	simm.s32 @p0 $0x1B8D  }
0xad: {  	_ =	swait.eq @p0 [sflag:s5], $0x1  }
0xae: {  	[sflag:s5] =	ssyncadd.s32 @p0 $0xFFFFFFFF  }
0xaf: {  	s6 =	sshll.u32 @!p0 s1, $0xE  }
0xb0: {  	s6 =	sor.u32 @!p0 $0x4000, s6;
	s5 =	simm.s32 @!p0 $0x1B8D  }
0xb1: {  	s4 =	sshll.u32 @!p0 s4, $0x11;
	s6 =	sadd.s32 @!p0 $0x11B8D, s6;
	_ =	swait.eq @!p0 [sflag:s5], $0x1  }
0xb2: {  	s4 =	sor.u32 @!p0 s4, s6;
	[sflag:s5] =	ssyncadd.s32 @!p0 $0xFFFFFFFF  }
0xb3: {  	s25 =	simm.s32 $0x1B8E;
	s24 =	sld [smem:$0x3FFE];
	[sflag:s4] =	ssyncadd.remote.s32 @!p0 $0x1  }
0xb4: {  	s26 =	simm.s32 $execute0_lowered;
	[smem:$0x3FD2] =	sst s25  }
0xb5: {  	s5 =	sshll.u32 s26, $0x1;
	_ =	strace $0x80000049;
	[dreg:$0x1] =	wrdreg $0xFFFFFFFF  }
0xb6: {  	s28 =	simm.s32 $_size_execute0_lowered;
	s3 =	sadd.s32 s3, s5;
	[dreg:$0x0] =	wrdreg $0x0  }
0xb7: {  	s5 =	sshll.u32 s28, $0x1;
	[dreg:$0x2] =	wrdreg s3  }
0xb8: {  	[dreg:$0x3] =	wrdreg s5  }
0xb9: {  	[dreg:$0x4] =	wrdreg $0xC0  }
0xba: {  	_ =	task [dreg:s22], $0x5FFFF  }
0xbb: {  	[dreg:$0x1] =	wrdreg $0xFFFFFFFF  }
0xbc: {  	[dreg:$0x0] =	wrdreg $0x60  }
0xbd: {  	[dreg:$0x2] =	wrdreg s24  }
0xbe: {  	[dreg:$0x3] =	wrdreg $0xB  }
0xbf: {  	_ =	task.clear_ibuf [dreg:s22], $0x4FFFF;
	_ =	strace $0x90000049  }
0xc0: {  	s29 =	simm.s32 $0xB;
	_ =	strace $0x8000004B  }
0xc1: {  	_ =	swait.ge [sflag:s29], $0x1  }
0xc2: {  	[sflag:s29] =	ssyncadd.s32 $0xFFFFFFFF  }
0xc3: {  	_ =	strace $0x9000004B  }
0xc4: {  	_ =	sfence  }
0xc5: {  	s30 =	sld [smem:$0x0];
	_ =	sdelay $0x2  }
0xc6: {  	s31 =	sshll.u32 s1, $0xD;
	s1 =	sshrl.u32 s1, $0x2  }
0xc7: {  	s4 =	sand.u32 $0x4000, s31;
	s1 =	sadd.s32 s1, s30  }
0xc8: {  	s0 =	sor.u32 s4, s0;
	s1 =	sshll.u32 s1, $0x11  }
0xc9: {  	s0 =	sor.u32 s1, s0  }
0xca: {  	s0 =	sadd.s32 $0x8F2B, s0  }
0xcb: {  	[sflag:s0] =	ssyncadd.remote.s32 $0x1  }
0xcc: {  	_ =	sfence.sel $0xFFFF  }
0xcd: {  	[dreg:$0x0] =	wrdreg $0xFFFFFFFF;
	(pc) =	sbr.abs _section_cstart, $3  }
0xce: {  	[dreg:$0x1] =	wrdreg $0xFFFFFFFF  }
0xcf: {  	_ =	task.clear_ibuf [dreg:s22], $0x2FFFF;
	_ =	strace $0x9FFFFFFF  }
0xd0: {  	(tm) =	ssettm $0x7FFFFFFF  }
0xd1: {  	_ =	shalt  }
tec
execute0_lowered:
.L_overlay_start_1:
0x0: {  	(tag) =	ssettag $0x1  }
0x1: {  	s1 =	srdreg.scid;
	s0 =	stileid.u32  }
0x2: {  	s4 =	rddreg [dreg:$0x0];
	s2 =	simm.s32 $0x0;
	s15 =	simm.s32 $0x1  }
0x3: {  	s16 =	simm.s32 $0x2;
	s17 =	simm.s32 $0xB80;
	s12 =	smul.u32 $0xC8000, s0  }
0x4: {  	s18 =	simm.s32 $0xC00;
	s7 =	sand.u32 $0x1, s1;
	s14 =	smul.u32 $0x19000, s0  }
0x5: {  	s19 =	simm.s32 $0x0;
	s3 =	sshll.u32 s0, $0x1;
	s28 =	smul.u32 $0x64000, s7  }
0x6: {  	s1 =	rddreg [dreg:$0x1];
	s5 =	sor.u32 s7, s3;
	s29 =	smul.u32 $0xC800, s7  }
0x7: {  	[smem:$0x7FF] =	sst s2;
	s11 =	sadd.s32 $0x624C00, s4;
	s6 =	smul.u32 $0xC80, s5  }
0x8: {  	_ =	strace $0x8000004A;
	s9 =	ssub.s32 $0x2, s7;
	s8 =	smul.u32 $0x64000, s5  }
0x9: {  	s3 =	sadd.s32 $0x1A00, s4;
	s10 =	smul.u32 $0xC800, s5;
	s25 =	sshrl.u32 s9, $0x1  }
0xa: {  	s30 =	sadd.s32 s14, s11;
	s14 =	simm.s32 $0x4C80;
	s9 =	ssub.s32 s9, s25  }
0xb: {  	s6 =	sshrl.u32 s6, $0x3;
	s26 =	sshrl.u32 s8, $0x3;
	s8 =	sadd.s32 s28, s12  }
0xc: {  	s10 =	sadd.s32 s11, s10;
	s12 =	sadd.s32 s29, s30;
	s6 =	sadd.s32 s6, s4  }
0xd: {  	s13 =	sadd.s32 s11, s26;
	s31 =	sshrl.u32 s8, $0x3;
	s8 =	sadd.s32 $0xB800, s10  }
0xe: {  	s10 =	sadd.s32 $0x800, s12;
	s12 =	simm.s32 $0x80;
	s4 =	sadd.s32 $0x621A00, s6  }
0xf: {  	s5 =	sadd.s32 $0xC000, s13;
	s6 =	smax.u32 s9, $0x1;
	s7 =	sadd.s32 $0xB000, s13  }
0x10: {  	s9 =	sadd.s32 s31, s11;
	s11 =	simm.s32 $0x3;
	s13 =	simm.s32 $0xC80  }
.LBB2_1:
0x11: {  	[tilespmem:s2], [sflag:$0x3] =	stream.linear.gather [hbm4b:s4+s2], $0xC80, $0x38;
	[tilespmem:$0x8C80] =	vst v63  }
0x12: {  	_ =	swait.ge [sflag:s11], $0xC80  }
0x13: {  	[sflag:s11] =	ssyncset.done $0x0  }
0x14: {  	[sflag:s11] =	ssyncadd.s32 $0xFFFFF380  }
0x15: {  	[tilespmem:s13], [sflag:$0x1] =	stream.indirect.gather [hbm4b:s3+s12], $0x80, s2, s12, $0xb8;
	[tilespmem:$0x8C80] =	vst v63  }
0x16: {  	s20 =	simm.s32 $0x80  }
0x17: {  	[tilespmem:s14], [sflag:$0x2] =	stream.indirect.gather [hbm4b:s3+s12], $0x80, s20, s12, $0xb8;
	[tilespmem:$0x8C80] =	vst v63  }
0x18: {  	_ =	swait.ge [sflag:s15], $0x4000  }
0x19: {  	[sflag:s15] =	ssyncset.done $0x0  }
0x1a: {  	s29 =	sadd.s32 $0x0, s9;
	[sflag:s15] =	ssyncadd.s32 $0xFFFFC000  }
0x1b: {  	[hbm4b:s29+s2] =	stream.linear.scatter [tilespmem:s13], [sflag:$0x3], $0x4000, $0x38;
	[tilespmem:$0x8C80] =	vst v63  }
0x1c: {  	_ =	swait.ge [sflag:s11], $0x4000  }
0x1d: {  	[sflag:s11] =	ssyncset.done $0x0  }
0x1e: {  	s30 =	simm.s32 $0x100;
	[sflag:s11] =	ssyncadd.s32 $0xFFFFC000  }
0x1f: {  	[tilespmem:s13], [sflag:$0x1] =	stream.indirect.gather [hbm4b:s3+s12], $0x80, s30, s12, $0xb8;
	[tilespmem:$0x8C80] =	vst v63  }
0x20: {  	_ =	swait.ge [sflag:s16], $0x4000  }
0x21: {  	[sflag:s16] =	ssyncset.done $0x0  }
0x22: {  	s31 =	sadd.s32 $0x0, s10;
	[sflag:s16] =	ssyncadd.s32 $0xFFFFC000  }
0x23: {  	[hbm4b:s31+s2] =	stream.linear.scatter [tilespmem:s14], [sflag:$0x3], $0x4000, $0x38;
	[tilespmem:$0x8C80] =	vst v63  }
0x24: {  	s22 =	simm.s32 $0x2000;
	_ =	swait.ge [sflag:s11], $0x4000  }
0x25: {  	s21 =	simm.s32 $0x200;
	s20 =	simm.s32 $0x1000;
	[sflag:s11] =	ssyncset.done $0x0  }
.LBB2_2:
0x26: {  	p0 =	sne.s32 s22, $0xA000;
	s23 =	sadd.s32 $0xFFFFFF80, s21;
	[sflag:s11] =	ssyncadd.s32 $0xFFFFC000  }
0x27: {  	[tilespmem:s14], [sflag:$0x2] =	stream.indirect.gather [hbm4b:s3+s12], $0x80, s23, s12, $0xb8;
	[tilespmem:$0x8C80] =	vst v63  }
0x28: {  	s23 =	smov.u32 s22;
	s22 =	sadd.s32 $0x1000, s22;
	_ =	swait.ge [sflag:s15], $0x4000  }
0x29: {  	[sflag:s15] =	ssyncset.done $0x0  }
0x2a: {  	s24 =	sadd.s32 s20, s9;
	[sflag:s15] =	ssyncadd.s32 $0xFFFFC000  }
0x2b: {  	[hbm4b:s24+s2] =	stream.linear.scatter [tilespmem:s13], [sflag:$0x3], $0x4000, $0x38;
	[tilespmem:$0x8C80] =	vst v63  }
0x2c: {  	_ =	swait.ge [sflag:s11], $0x4000  }
0x2d: {  	[sflag:s11] =	ssyncset.done $0x0  }
0x2e: {  	[sflag:s11] =	ssyncadd.s32 $0xFFFFC000  }
0x2f: {  	[tilespmem:s13], [sflag:$0x1] =	stream.indirect.gather [hbm4b:s3+s12], $0x80, s21, s12, $0xb8;
	[tilespmem:$0x8C80] =	vst v63  }
0x30: {  	_ =	swait.ge [sflag:s16], $0x4000  }
.Ltmp0:
0x31: {  	[sflag:s16] =	ssyncset.done $0x0;
	(pc) =	sbr.rel @p0 .LBB2_2-.Ltmp0, $4  }
0x32: {  	s24 =	sadd.s32 s20, s10;
	s20 =	smov.u32 s23;
	[sflag:s16] =	ssyncadd.s32 $0xFFFFC000  }
0x33: {  	[hbm4b:s24+s2] =	stream.linear.scatter [tilespmem:s14], [sflag:$0x3], $0x4000, $0x38;
	[tilespmem:$0x8C80] =	vst v63  }
0x34: {  	_ =	swait.ge [sflag:s11], $0x4000  }
0x35: {  	s21 =	sadd.s32 $0x100, s21;
	[sflag:s11] =	ssyncset.done $0x0  }
0x36: {  	s22 =	sadd.s32 $0xFFFFFF80, s21;
	[sflag:s11] =	ssyncadd.s32 $0xFFFFC000  }
0x37: {  	[tilespmem:s14], [sflag:$0x2] =	stream.indirect.gather [hbm4b:s3+s12], $0x80, s22, s12, $0xb8;
	[tilespmem:$0x8C80] =	vst v63  }
0x38: {  	_ =	swait.ge [sflag:s15], $0x4000  }
0x39: {  	[sflag:s15] =	ssyncset.done $0x0  }
0x3a: {  	s30 =	sadd.s32 s20, s9;
	[sflag:s15] =	ssyncadd.s32 $0xFFFFC000  }
0x3b: {  	[hbm4b:s30+s2] =	stream.linear.scatter [tilespmem:s13], [sflag:$0x3], $0x4000, $0x38;
	[tilespmem:$0x8C80] =	vst v63  }
0x3c: {  	_ =	swait.ge [sflag:s11], $0x4000  }
0x3d: {  	[sflag:s11] =	ssyncset.done $0x0  }
0x3e: {  	[sflag:s11] =	ssyncadd.s32 $0xFFFFC000  }
0x3f: {  	[tilespmem:s13], [sflag:$0x1] =	stream.indirect.gather [hbm4b:s3+s12], $0x80, s21, s12, $0xb8;
	[tilespmem:$0x8C80] =	vst v63  }
0x40: {  	_ =	swait.ge [sflag:s16], $0x4000  }
0x41: {  	[sflag:s16] =	ssyncset.done $0x0  }
0x42: {  	s31 =	sadd.s32 s20, s10;
	[sflag:s16] =	ssyncadd.s32 $0xFFFFC000  }
0x43: {  	[hbm4b:s31+s2] =	stream.linear.scatter [tilespmem:s14], [sflag:$0x3], $0x4000, $0x38;
	[tilespmem:$0x8C80] =	vst v63  }
0x44: {  	_ =	swait.ge [sflag:s11], $0x4000  }
0x45: {  	[sflag:s11] =	ssyncset.done $0x0  }
0x46: {  	[sflag:s11] =	ssyncadd.s32 $0xFFFFC000  }
0x47: {  	[tilespmem:s14], [sflag:$0x2] =	stream.indirect.gather [hbm4b:s3+s12], $0x80, s17, s12, $0xb8;
	[tilespmem:$0x8C80] =	vst v63  }
0x48: {  	_ =	swait.ge [sflag:s15], $0x4000  }
0x49: {  	[sflag:s15] =	ssyncset.done $0x0  }
0x4a: {  	[sflag:s15] =	ssyncadd.s32 $0xFFFFC000  }
0x4b: {  	[hbm4b:s7+s2] =	stream.linear.scatter [tilespmem:s13], [sflag:$0x3], $0x4000, $0x38;
	[tilespmem:$0x8C80] =	vst v63  }
0x4c: {  	_ =	swait.ge [sflag:s11], $0x4000  }
0x4d: {  	[sflag:s11] =	ssyncset.done $0x0  }
0x4e: {  	[sflag:s11] =	ssyncadd.s32 $0xFFFFC000  }
0x4f: {  	_ =	swait.ge [sflag:s16], $0x4000  }
0x50: {  	[sflag:s16] =	ssyncset.done $0x0  }
0x51: {  	[sflag:s16] =	ssyncadd.s32 $0xFFFFC000  }
0x52: {  	[hbm4b:s8+s2] =	stream.linear.scatter [tilespmem:s14], [sflag:$0x3], $0x4000, $0x38;
	[tilespmem:$0x8C80] =	vst v63  }
0x53: {  	_ =	swait.ge [sflag:s11], $0x4000  }
0x54: {  	[sflag:s11] =	ssyncset.done $0x0  }
0x55: {  	[sflag:s11] =	ssyncadd.s32 $0xFFFFC000  }
0x56: {  	[tilespmem:s13], [sflag:$0x1] =	stream.indirect.gather [hbm4b:s3+s12], $0x80, s18, s12, $0xb8;
	[tilespmem:$0x8C80] =	vst v63  }
0x57: {  	s19 =	sadd.s32 $0x1, s19;
	_ =	swait.ge [sflag:s15], $0x4000  }
0x58: {  	p0 =	sne.s32 s19, s6;
	[sflag:s15] =	ssyncset.done $0x0  }
.Ltmp1:
0x59: {  	[sflag:s15] =	ssyncadd.s32 $0xFFFFC000;
	(pc) =	sbr.rel @p0 .LBB2_1-.Ltmp1, $4  }
0x5a: {  	[hbm4b:s5+s2] =	stream.linear.scatter [tilespmem:s13], [sflag:$0x3], $0x4000, $0x38;
	[tilespmem:$0x8C80] =	vst v63  }
0x5b: {  	_ =	swait.ge [sflag:s11], $0x4000  }
0x5c: {  	[sflag:s11] =	ssyncset.done $0x0  }
0x5d: {  	[sflag:s11] =	ssyncadd.s32 $0xFFFFC000  }
0x5e: {  	_ =	sfence.sel $0x180000  }
0x5f: {  	[bflag:$0x0] =	sbarrier.arrive $0xFFFF  }
0x60: {  	p0 =	sne.s32 s0, $0x0;
	_ =	strace $0x9000004A  }
0x61: {  	s0 =	sadd.s32 @!p0 $0x100000, s1;
	[bflag:$0x2] =	sbarrier.arrive $0xFFFF  }
0x62: {  	[sflag:s0] =	ssyncadd.tile.s32 @!p0 $0x1;
	_ =	shalt  }
.Lfunc_end2:
_tile_overlayer_lowered:
.L_overlay_start_2:
0x63: {  	(tag) =	ssettag $0x2  }
0x64: {  	s0 =	rddreg [dreg:$0x0];
	s2 =	stileid.u32  }
0x65: {  	s1 =	rddreg [dreg:$0x1];
	p0 =	sne.s32 s2, $0x0  }
0x66: {  	s3 =	rddreg [dreg:$0x2];
	[bflag:$0x3] =	sbarrier.arrive $0xFFFF;
	s2 =	simm.s32 @!p0 $0x1C03  }
0x67: {  	[timem:s3], [sflag:s2] =	dma.local @!p0 [hbm:s0], s1  }
0x68: {  	s0 =	simm.s32 @!p0 $0x3  }
0x69: {  	_ =	swait.ge @!p0 [sflag:s0], s1  }
0x6a: {  	s1 =	ssub.s32 @!p0 $0x0, s1;
	[sflag:s0] =	ssyncset.done @!p0 $0x0  }
0x6b: {  	[sflag:s0] =	ssyncadd.s32 @!p0 s1  }
0x6c: {  	[bflag:$0x3] =	sbarrier.arrive $0xFFFF  }
0x6d: {  	_ =	shalt  }

// kernel: kernel.20.cloned.1.call-start
scs
__scs_entry_jumppad:
0x0: {  	(pc) =	sbr.rel $0x88, $3  }
0x1: {  	(tag) =	ssettag $0x0;
	lr =	simm.s32 $0x1  }
0x2: {  	[smem:$0x3F9C] =	sst lr;
	_ =	strace $0xD0000000  }
0x3: {  	_ = 	snop  }
0x4: {  	_ = 	snop  }
0x5: {  	_ = 	snop  }
0x6: {  	_ = 	snop  }
0x7: {  	_ = 	snop  }
__scs_overlays_trampoline_lowered:
0x8: {  	[smem:$0x3FAB] =	sst s0  }
0x9: {  	[smem:$0x3FAC] =	sst s1  }
0xa: {  	[smem:$0x3FAD] =	sst s2  }
0xb: {  	[smem:$0x3FAE] =	sst s3  }
0xc: {  	[smem:$0x3FAF] =	sst s4  }
0xd: {  	[smem:$0x3FB0] =	sst s5  }
0xe: {  	[smem:$0x3FB1] =	sst s6  }
0xf: {  	[smem:$0x3FB2] =	sst s7  }
0x10: {  	[smem:$0x3FB3] =	sst s8  }
0x11: {  	[smem:$0x3FB4] =	sst s9;
	s0 =	simm.s32 @!p0 $0x0  }
0x12: {  	s1 =	sld [smem:$0x3F9A];
	s0 =	simm.s32 @p0 $0x1  }
0x13: {  	[smem:$0x3FB5] =	sst s0;
	s0 =	simm.s32 @!p1 $0x0  }
0x14: {  	s2 =	sld [smem:$0x3F99];
	s0 =	simm.s32 @p1 $0x1  }
0x15: {  	[smem:$0x3FB6] =	sst s0;
	s0 =	simm.s32 @!p2 $0x0  }
0x16: {  	s3 =	sld [smem:$0x3FDB];
	s0 =	simm.s32 @p2 $0x1  }
0x17: {  	s4 =	simm.s32 $0x1BF5;
	[smem:$0x3FB8] =	sst s0  }
0x18: {  	s0 =	sld [smem:$0x3F9B];
	_ =	swait.ge [sflag:s4], $0x0  }
0x19: {  	s7 =	sld [smem:$0x3F9C]  }
0x1a: {  	s8 =	sadd.s32 $0xFFFFE003, lr  }
0x1b: {  	s9 =	sadd.s32 $0xFFFFFEF7, lr;
	s5 =	simm.s32 $0xFFFFFFFF;
	p2 =	slt.u32 s8, $0xFFFFF086  }
0x1c: {  	p1 =	slt.u32 s9, $0xF7A;
	s5 =	simm.s32 @!p2 $0x0  }
0x1d: {  	s5 =	simm.s32 @p1 $0x1;
	p0 =	seq.s32 s7, s2  }
0x1e: {  	s7 =	smul.u32 @!p0 $0xF7A, s2;
	p2 =	seq.s32 @!p0 s5, $0x0  }
0x1f: {  	s9 =	smul.u32 $0xF7A, s1;
	s8 =	simm.s32 @!p0 $0x1BF5;
	p2 =	por !p2, p0  }
0x20: {  	[sflag:s8] =	ssyncset.s32 @!p0 $0xFFFFF086;
	s6 =	sadd.s32 @!p0 s3, s7;
	s7 =	simm.s32 @!p0 $0x108  }
0x21: {  	s3 =	sadd.s32 s3, s9;
	s6 =	sadd.s32 @!p0 $0x88, s6;
	s7 =	simm.s32 @p2 $0x1082  }
0x22: {  	[simem:s7], [sflag:s8] =	dma.local @!p0 [hbm:s6], $0xF7A  }
0x23: {  	s9 =	sor.u32 $0xD0000000, s2;
	s6 =	simm.s32 $0x108;
	_ =	swait.ge @!p0 [sflag:s8], $0x0  }
0x24: {  	s3 =	sadd.s32 $0x88, s3;
	s6 =	simm.s32 @!p1 $0x1082;
	[sflag:s4] =	ssyncset.s32 $0xFFFFF086  }
0x25: {  	[simem:s6], [sflag:s4] =	dma.local [hbm:s3], $0xF7A  }
0x26: {  	[smem:$0x3F9C] =	sst s1;
	(tag) =	ssettag s2;
	_ =	strace s9  }
0x27: {  	s1 =	sld [smem:$0x3FAC]  }
0x28: {  	s2 =	sld [smem:$0x3FAD]  }
0x29: {  	s4 =	sld [smem:$0x3FAF]  }
0x2a: {  	p0 =	seq.s32 s5, $0x0;
	s5 =	sld [smem:$0x3FB0]  }
0x2b: {  	s6 =	sld [smem:$0x3FB1]  }
0x2c: {  	s7 =	sld [smem:$0x3FB2]  }
0x2d: {  	s3 =	simm.s32 $0x108;
	s8 =	sld [smem:$0x3FB3]  }
0x2e: {  	s3 =	simm.s32 @!p0 $0x1082;
	s9 =	sld [smem:$0x3FB4]  }
0x2f: {  	lr =	sadd.s32 s0, s3;
	s0 =	sld [smem:$0x3FAB]  }
0x30: {  	s3 =	sld [smem:$0x3FAE]  }
0x31: {  	[smem:$0x3FB7] =	sst s10  }
0x32: {  	s10 =	sld [smem:$0x3FB5];
	_ =	sdelay $0x3  }
0x33: {  	p0 =	seq.s32 s10, $0x1;
	s10 =	sld [smem:$0x3FB7];
	_ =	sdelay $0x3  }
0x34: {  	[smem:$0x3FB7] =	sst s10  }
0x35: {  	s10 =	sld [smem:$0x3FB6];
	_ =	sdelay $0x3  }
0x36: {  	p1 =	seq.s32 s10, $0x1;
	s10 =	sld [smem:$0x3FB7];
	_ =	sdelay $0x3  }
0x37: {  	[smem:$0x3FB7] =	sst s10  }
0x38: {  	s10 =	sld [smem:$0x3FB8]  }
0x39: {  	_ = 	snop;
	(pc) =	sbr.ind lr, $3  }
0x3a: {  	_ = 	snop  }
0x3b: {  	_ = 	snop  }
0x3c: {  	p2 =	seq.s32 s10, $0x1;
	s10 =	sld [smem:$0x3FB7]  }
0x3d: {  	_ =	shalt  }
0x3e: {  	_ =	shalt  }
0x3f: {  	_ =	shalt  }
0x40: {  	_ =	shalt  }
0x41: {  	_ =	shalt  }
0x42: {  	_ =	shalt  }
0x43: {  	_ =	shalt  }
0x44: {  	_ =	shalt  }
0x45: {  	_ =	shalt  }
0x46: {  	_ =	shalt  }
0x47: {  	_ =	shalt  }
0x48: {  	_ =	shalt  }
0x49: {  	_ =	shalt  }
0x4a: {  	_ =	shalt  }
0x4b: {  	_ =	shalt  }
0x4c: {  	_ =	shalt  }
0x4d: {  	_ =	shalt  }
0x4e: {  	_ =	shalt  }
0x4f: {  	_ =	shalt  }
0x50: {  	_ =	shalt  }
0x51: {  	_ =	shalt  }
0x52: {  	_ =	shalt  }
0x53: {  	_ =	shalt  }
0x54: {  	_ =	shalt  }
0x55: {  	_ =	shalt  }
0x56: {  	_ =	shalt  }
0x57: {  	_ =	shalt  }
0x58: {  	_ =	shalt  }
0x59: {  	_ =	shalt  }
0x5a: {  	_ =	shalt  }
0x5b: {  	_ =	shalt  }
0x5c: {  	_ =	shalt  }
0x5d: {  	_ =	shalt  }
0x5e: {  	_ =	shalt  }
0x5f: {  	_ =	shalt  }
0x60: {  	_ =	shalt  }
0x61: {  	_ =	shalt  }
0x62: {  	_ =	shalt  }
0x63: {  	_ =	shalt  }
0x64: {  	_ =	shalt  }
0x65: {  	_ =	shalt  }
0x66: {  	_ =	shalt  }
0x67: {  	_ =	shalt  }
0x68: {  	_ =	shalt  }
0x69: {  	_ =	shalt  }
0x6a: {  	_ =	shalt  }
0x6b: {  	_ =	shalt  }
0x6c: {  	_ =	shalt  }
0x6d: {  	_ =	shalt  }
0x6e: {  	_ =	shalt  }
0x6f: {  	_ =	shalt  }
0x70: {  	_ =	shalt  }
0x71: {  	_ =	shalt  }
0x72: {  	_ =	shalt  }
0x73: {  	_ =	shalt  }
0x74: {  	_ =	shalt  }
0x75: {  	_ =	shalt  }
0x76: {  	_ =	shalt  }
0x77: {  	_ =	shalt  }
0x78: {  	_ =	shalt  }
0x79: {  	_ =	shalt  }
0x7a: {  	_ =	shalt  }
0x7b: {  	_ =	shalt  }
0x7c: {  	_ =	shalt  }
0x7d: {  	_ =	shalt  }
0x7e: {  	_ =	shalt  }
0x7f: {  	_ =	shalt  }
0x80: {  	_ =	shalt  }
0x81: {  	_ =	shalt  }
0x82: {  	_ =	shalt  }
0x83: {  	_ =	shalt  }
0x84: {  	_ =	shalt  }
0x85: {  	_ =	shalt  }
0x86: {  	_ =	shalt  }
0x87: {  	_ =	shalt  }
.Lfunc_end0:
.L_simem_size_0:
called_computation.3_lowered:
.L_overlay_start_0:
0x88: {  	s2 =	sld [smem:$0x3FD9]  }
0x89: {  	s3 =	sld [smem:$0x3FFE];
	_ =	sdelay $0x1  }
0x8a: {  	s1 =	srdreg.scid  }
0x8b: {  	s0 =	sand.u32 $0x1, s1  }
0x8c: {  	s17 =	sshll.u32 s0, $0xA;
	s2 =	sadd.s32 s3, s2  }
0x8d: {  	s2 =	sadd.s32 s2, s17  }
0x8e: {  	[smem:$0x3FC3] =	sst s2  }
0x8f: {  	_ = 	snop  }
0x90: {  	(tm) =	ssettm $0x1  }
0x91: {  	s18 =	sld [smem:$0x3FFB];
	_ =	sdelay $0x3  }
0x92: {  	_ =	strace s18  }
0x93: {  	s2 =	sld [smem:$0x3FFC];
	_ =	sdelay $0x3  }
0x94: {  	_ =	strace s2  }
0x95: {  	s2 =	sld [smem:$0x3FFD];
	_ =	sdelay $0x3  }
0x96: {  	_ =	strace s2  }
0x97: {  	_ =	strace $0x8FFFFFFF  }
0x98: {  	s19 =	sld [smem:$0x3FDB];
	_ =	sdelay $0x1  }
0x99: {  	s20 =	simm.s32 $_scs_section_size  }
0x9a: {  	s4 =	simm.s32 $_size__tile_overlayer_lowered;
	s5 =	simm.s32 $_tile_overlayer_lowered  }
0x9b: {  	s6 =	simm.s32 $0x1BFF;
	s21 =	sshll.u32 s5, $0x1;
	s3 =	sadd.s32 s20, s19  }
0x9c: {  	s22 =	simm.s32 $0x0;
	s4 =	sshll.u32 s4, $0x1;
	s5 =	sadd.s32 s21, s3  }
0x9d: {  	[timem:s22], [sflag:s6] =	dma.local [hbm:s5], s4  }
0x9e: {  	_ =	swait.ge [sflag:s6], s4  }
0x9f: {  	s4 =	ssub.s32 $0x0, s4;
	[sflag:s6] =	ssyncset.done $0x0  }
0xa0: {  	[sflag:s6] =	ssyncadd.s32 s4;
	_ =	sdelay $0x1  }
0xa1: {  	s23 =	simm.s32 $0x1B8B  }
0xa2: {  	_ =	swait.ge [sflag:s23], $0x1  }
0xa3: {  	[sflag:s23] =	ssyncset.done $0x0  }
0xa4: {  	[sflag:s23] =	ssyncadd.s32 $0xFFFFFFFF  }
0xa5: {  	s4 =	sld [smem:$0x0]  }
0xa6: {  	s5 =	sand.u32 $0xFFFFFFFE, s1  }
0xa7: {  	p0 =	sne.s32 s1, s5  }
0xa8: {  	s5 =	sshll.u32 @p0 s5, $0xE  }
0xa9: {  	s5 =	sadd.s32 @p0 $0x11B8D, s5;
	s6 =	sshll.u32 @p0 s4, $0x11  }
0xaa: {  	s5 =	sor.u32 @p0 s6, s5  }
0xab: {  	[sflag:s5] =	ssyncadd.remote.s32 @p0 $0x1;
	_ =	sdelay $0x1  }
0xac: {  	s5 =	simm.s32 @p0 $0x1B8D  }
0xad: {  	_ =	swait.eq @p0 [sflag:s5], $0x1  }
0xae: {  	[sflag:s5] =	ssyncadd.s32 @p0 $0xFFFFFFFF  }
0xaf: {  	s6 =	sshll.u32 @!p0 s1, $0xE  }
0xb0: {  	s6 =	sor.u32 @!p0 $0x4000, s6;
	s5 =	simm.s32 @!p0 $0x1B8D  }
0xb1: {  	s4 =	sshll.u32 @!p0 s4, $0x11;
	s6 =	sadd.s32 @!p0 $0x11B8D, s6;
	_ =	swait.eq @!p0 [sflag:s5], $0x1  }
0xb2: {  	s4 =	sor.u32 @!p0 s4, s6;
	[sflag:s5] =	ssyncadd.s32 @!p0 $0xFFFFFFFF  }
0xb3: {  	s25 =	simm.s32 $0x1B8E;
	s24 =	sld [smem:$0x3FFE];
	[sflag:s4] =	ssyncadd.remote.s32 @!p0 $0x1  }
0xb4: {  	s26 =	simm.s32 $execute0_lowered;
	[smem:$0x3FD2] =	sst s25  }
0xb5: {  	s5 =	sshll.u32 s26, $0x1;
	_ =	strace $0x8000004F;
	[dreg:$0x1] =	wrdreg $0xFFFFFFFF  }
0xb6: {  	s28 =	simm.s32 $_size_execute0_lowered;
	s3 =	sadd.s32 s3, s5;
	[dreg:$0x0] =	wrdreg $0x0  }
0xb7: {  	s5 =	sshll.u32 s28, $0x1;
	[dreg:$0x2] =	wrdreg s3  }
0xb8: {  	[dreg:$0x3] =	wrdreg s5  }
0xb9: {  	[dreg:$0x4] =	wrdreg $0xC0  }
0xba: {  	_ =	task [dreg:s22], $0x5FFFF  }
0xbb: {  	[dreg:$0x1] =	wrdreg $0xFFFFFFFF  }
0xbc: {  	[dreg:$0x0] =	wrdreg $0x60  }
0xbd: {  	[dreg:$0x2] =	wrdreg s24  }
0xbe: {  	[dreg:$0x3] =	wrdreg $0xC  }
0xbf: {  	_ =	task.clear_ibuf [dreg:s22], $0x4FFFF;
	_ =	strace $0x9000004F  }
0xc0: {  	s29 =	simm.s32 $0xC;
	_ =	strace $0x80000051  }
0xc1: {  	_ =	swait.ge [sflag:s29], $0x1  }
0xc2: {  	[sflag:s29] =	ssyncadd.s32 $0xFFFFFFFF  }
0xc3: {  	_ =	strace $0x90000051  }
0xc4: {  	_ =	sfence  }
0xc5: {  	s30 =	sld [smem:$0x0];
	_ =	sdelay $0x2  }
0xc6: {  	s31 =	sshll.u32 s1, $0xD;
	s1 =	sshrl.u32 s1, $0x2  }
0xc7: {  	s4 =	sand.u32 $0x4000, s31;
	s1 =	sadd.s32 s1, s30  }
0xc8: {  	s0 =	sor.u32 s4, s0;
	s1 =	sshll.u32 s1, $0x11  }
0xc9: {  	s0 =	sor.u32 s1, s0  }
0xca: {  	s0 =	sadd.s32 $0x8F2B, s0  }
0xcb: {  	[sflag:s0] =	ssyncadd.remote.s32 $0x1  }
0xcc: {  	_ =	sfence.sel $0xFFFF  }
0xcd: {  	[dreg:$0x0] =	wrdreg $0xFFFFFFFF;
	(pc) =	sbr.abs _section_cstart, $3  }
0xce: {  	[dreg:$0x1] =	wrdreg $0xFFFFFFFF  }
0xcf: {  	_ =	task.clear_ibuf [dreg:s22], $0x2FFFF;
	_ =	strace $0x9FFFFFFF  }
0xd0: {  	(tm) =	ssettm $0x7FFFFFFF  }
0xd1: {  	_ =	shalt  }
tec
execute0_lowered:
.L_overlay_start_1:
0x0: {  	(tag) =	ssettag $0x1  }
0x1: {  	s1 =	srdreg.scid;
	s0 =	stileid.u32  }
0x2: {  	s4 =	rddreg [dreg:$0x0];
	s2 =	simm.s32 $0x0;
	s15 =	simm.s32 $0x1  }
0x3: {  	s16 =	simm.s32 $0x2;
	s17 =	simm.s32 $0xB80;
	s12 =	smul.u32 $0xC8000, s0  }
0x4: {  	s18 =	simm.s32 $0xC00;
	s7 =	sand.u32 $0x1, s1;
	s14 =	smul.u32 $0x19000, s0  }
0x5: {  	s19 =	simm.s32 $0x0;
	s3 =	sshll.u32 s0, $0x1;
	s28 =	smul.u32 $0x64000, s7  }
0x6: {  	s1 =	rddreg [dreg:$0x1];
	s5 =	sor.u32 s7, s3;
	s29 =	smul.u32 $0xC800, s7  }
0x7: {  	[smem:$0x7FF] =	sst s2;
	s11 =	sadd.s32 $0x94B000, s4;
	s6 =	smul.u32 $0xC80, s5  }
0x8: {  	_ =	strace $0x80000050;
	s9 =	ssub.s32 $0x2, s7;
	s8 =	smul.u32 $0x64000, s5  }
0x9: {  	s3 =	sadd.s32 $0x1A00, s4;
	s10 =	smul.u32 $0xC800, s5;
	s25 =	sshrl.u32 s9, $0x1  }
0xa: {  	s30 =	sadd.s32 s14, s11;
	s14 =	simm.s32 $0x4C80;
	s9 =	ssub.s32 s9, s25  }
0xb: {  	s6 =	sshrl.u32 s6, $0x3;
	s26 =	sshrl.u32 s8, $0x3;
	s8 =	sadd.s32 s28, s12  }
0xc: {  	s10 =	sadd.s32 s11, s10;
	s12 =	sadd.s32 s29, s30;
	s6 =	sadd.s32 s6, s4  }
0xd: {  	s13 =	sadd.s32 s11, s26;
	s31 =	sshrl.u32 s8, $0x3;
	s8 =	sadd.s32 $0xB800, s10  }
0xe: {  	s10 =	sadd.s32 $0x800, s12;
	s12 =	simm.s32 $0x80;
	s4 =	sadd.s32 $0x947E00, s6  }
0xf: {  	s5 =	sadd.s32 $0xC000, s13;
	s6 =	smax.u32 s9, $0x1;
	s7 =	sadd.s32 $0xB000, s13  }
0x10: {  	s9 =	sadd.s32 s31, s11;
	s11 =	simm.s32 $0x3;
	s13 =	simm.s32 $0xC80  }
.LBB2_1:
0x11: {  	[tilespmem:s2], [sflag:$0x3] =	stream.linear.gather [hbm4b:s4+s2], $0xC80, $0x38;
	[tilespmem:$0x8C80] =	vst v63  }
0x12: {  	_ =	swait.ge [sflag:s11], $0xC80  }
0x13: {  	[sflag:s11] =	ssyncset.done $0x0  }
0x14: {  	[sflag:s11] =	ssyncadd.s32 $0xFFFFF380  }
0x15: {  	[tilespmem:s13], [sflag:$0x1] =	stream.indirect.gather [hbm4b:s3+s12], $0x80, s2, s12, $0xb8;
	[tilespmem:$0x8C80] =	vst v63  }
0x16: {  	s20 =	simm.s32 $0x80  }
0x17: {  	[tilespmem:s14], [sflag:$0x2] =	stream.indirect.gather [hbm4b:s3+s12], $0x80, s20, s12, $0xb8;
	[tilespmem:$0x8C80] =	vst v63  }
0x18: {  	_ =	swait.ge [sflag:s15], $0x4000  }
0x19: {  	[sflag:s15] =	ssyncset.done $0x0  }
0x1a: {  	s29 =	sadd.s32 $0x0, s9;
	[sflag:s15] =	ssyncadd.s32 $0xFFFFC000  }
0x1b: {  	[hbm4b:s29+s2] =	stream.linear.scatter [tilespmem:s13], [sflag:$0x3], $0x4000, $0x38;
	[tilespmem:$0x8C80] =	vst v63  }
0x1c: {  	_ =	swait.ge [sflag:s11], $0x4000  }
0x1d: {  	[sflag:s11] =	ssyncset.done $0x0  }
0x1e: {  	s30 =	simm.s32 $0x100;
	[sflag:s11] =	ssyncadd.s32 $0xFFFFC000  }
0x1f: {  	[tilespmem:s13], [sflag:$0x1] =	stream.indirect.gather [hbm4b:s3+s12], $0x80, s30, s12, $0xb8;
	[tilespmem:$0x8C80] =	vst v63  }
0x20: {  	_ =	swait.ge [sflag:s16], $0x4000  }
0x21: {  	[sflag:s16] =	ssyncset.done $0x0  }
0x22: {  	s31 =	sadd.s32 $0x0, s10;
	[sflag:s16] =	ssyncadd.s32 $0xFFFFC000  }
0x23: {  	[hbm4b:s31+s2] =	stream.linear.scatter [tilespmem:s14], [sflag:$0x3], $0x4000, $0x38;
	[tilespmem:$0x8C80] =	vst v63  }
0x24: {  	s22 =	simm.s32 $0x2000;
	_ =	swait.ge [sflag:s11], $0x4000  }
0x25: {  	s21 =	simm.s32 $0x200;
	s20 =	simm.s32 $0x1000;
	[sflag:s11] =	ssyncset.done $0x0  }
.LBB2_2:
0x26: {  	p0 =	sne.s32 s22, $0xA000;
	s23 =	sadd.s32 $0xFFFFFF80, s21;
	[sflag:s11] =	ssyncadd.s32 $0xFFFFC000  }
0x27: {  	[tilespmem:s14], [sflag:$0x2] =	stream.indirect.gather [hbm4b:s3+s12], $0x80, s23, s12, $0xb8;
	[tilespmem:$0x8C80] =	vst v63  }
0x28: {  	s23 =	smov.u32 s22;
	s22 =	sadd.s32 $0x1000, s22;
	_ =	swait.ge [sflag:s15], $0x4000  }
0x29: {  	[sflag:s15] =	ssyncset.done $0x0  }
0x2a: {  	s24 =	sadd.s32 s20, s9;
	[sflag:s15] =	ssyncadd.s32 $0xFFFFC000  }
0x2b: {  	[hbm4b:s24+s2] =	stream.linear.scatter [tilespmem:s13], [sflag:$0x3], $0x4000, $0x38;
	[tilespmem:$0x8C80] =	vst v63  }
0x2c: {  	_ =	swait.ge [sflag:s11], $0x4000  }
0x2d: {  	[sflag:s11] =	ssyncset.done $0x0  }
0x2e: {  	[sflag:s11] =	ssyncadd.s32 $0xFFFFC000  }
0x2f: {  	[tilespmem:s13], [sflag:$0x1] =	stream.indirect.gather [hbm4b:s3+s12], $0x80, s21, s12, $0xb8;
	[tilespmem:$0x8C80] =	vst v63  }
0x30: {  	_ =	swait.ge [sflag:s16], $0x4000  }
.Ltmp0:
0x31: {  	[sflag:s16] =	ssyncset.done $0x0;
	(pc) =	sbr.rel @p0 .LBB2_2-.Ltmp0, $4  }
0x32: {  	s24 =	sadd.s32 s20, s10;
	s20 =	smov.u32 s23;
	[sflag:s16] =	ssyncadd.s32 $0xFFFFC000  }
0x33: {  	[hbm4b:s24+s2] =	stream.linear.scatter [tilespmem:s14], [sflag:$0x3], $0x4000, $0x38;
	[tilespmem:$0x8C80] =	vst v63  }
0x34: {  	_ =	swait.ge [sflag:s11], $0x4000  }
0x35: {  	s21 =	sadd.s32 $0x100, s21;
	[sflag:s11] =	ssyncset.done $0x0  }
0x36: {  	s22 =	sadd.s32 $0xFFFFFF80, s21;
	[sflag:s11] =	ssyncadd.s32 $0xFFFFC000  }
0x37: {  	[tilespmem:s14], [sflag:$0x2] =	stream.indirect.gather [hbm4b:s3+s12], $0x80, s22, s12, $0xb8;
	[tilespmem:$0x8C80] =	vst v63  }
0x38: {  	_ =	swait.ge [sflag:s15], $0x4000  }
0x39: {  	[sflag:s15] =	ssyncset.done $0x0  }
0x3a: {  	s30 =	sadd.s32 s20, s9;
	[sflag:s15] =	ssyncadd.s32 $0xFFFFC000  }
0x3b: {  	[hbm4b:s30+s2] =	stream.linear.scatter [tilespmem:s13], [sflag:$0x3], $0x4000, $0x38;
	[tilespmem:$0x8C80] =	vst v63  }
0x3c: {  	_ =	swait.ge [sflag:s11], $0x4000  }
0x3d: {  	[sflag:s11] =	ssyncset.done $0x0  }
0x3e: {  	[sflag:s11] =	ssyncadd.s32 $0xFFFFC000  }
0x3f: {  	[tilespmem:s13], [sflag:$0x1] =	stream.indirect.gather [hbm4b:s3+s12], $0x80, s21, s12, $0xb8;
	[tilespmem:$0x8C80] =	vst v63  }
0x40: {  	_ =	swait.ge [sflag:s16], $0x4000  }
0x41: {  	[sflag:s16] =	ssyncset.done $0x0  }
0x42: {  	s31 =	sadd.s32 s20, s10;
	[sflag:s16] =	ssyncadd.s32 $0xFFFFC000  }
0x43: {  	[hbm4b:s31+s2] =	stream.linear.scatter [tilespmem:s14], [sflag:$0x3], $0x4000, $0x38;
	[tilespmem:$0x8C80] =	vst v63  }
0x44: {  	_ =	swait.ge [sflag:s11], $0x4000  }
0x45: {  	[sflag:s11] =	ssyncset.done $0x0  }
0x46: {  	[sflag:s11] =	ssyncadd.s32 $0xFFFFC000  }
0x47: {  	[tilespmem:s14], [sflag:$0x2] =	stream.indirect.gather [hbm4b:s3+s12], $0x80, s17, s12, $0xb8;
	[tilespmem:$0x8C80] =	vst v63  }
0x48: {  	_ =	swait.ge [sflag:s15], $0x4000  }
0x49: {  	[sflag:s15] =	ssyncset.done $0x0  }
0x4a: {  	[sflag:s15] =	ssyncadd.s32 $0xFFFFC000  }
0x4b: {  	[hbm4b:s7+s2] =	stream.linear.scatter [tilespmem:s13], [sflag:$0x3], $0x4000, $0x38;
	[tilespmem:$0x8C80] =	vst v63  }
0x4c: {  	_ =	swait.ge [sflag:s11], $0x4000  }
0x4d: {  	[sflag:s11] =	ssyncset.done $0x0  }
0x4e: {  	[sflag:s11] =	ssyncadd.s32 $0xFFFFC000  }
0x4f: {  	_ =	swait.ge [sflag:s16], $0x4000  }
0x50: {  	[sflag:s16] =	ssyncset.done $0x0  }
0x51: {  	[sflag:s16] =	ssyncadd.s32 $0xFFFFC000  }
0x52: {  	[hbm4b:s8+s2] =	stream.linear.scatter [tilespmem:s14], [sflag:$0x3], $0x4000, $0x38;
	[tilespmem:$0x8C80] =	vst v63  }
0x53: {  	_ =	swait.ge [sflag:s11], $0x4000  }
0x54: {  	[sflag:s11] =	ssyncset.done $0x0  }
0x55: {  	[sflag:s11] =	ssyncadd.s32 $0xFFFFC000  }
0x56: {  	[tilespmem:s13], [sflag:$0x1] =	stream.indirect.gather [hbm4b:s3+s12], $0x80, s18, s12, $0xb8;
	[tilespmem:$0x8C80] =	vst v63  }
0x57: {  	s19 =	sadd.s32 $0x1, s19;
	_ =	swait.ge [sflag:s15], $0x4000  }
0x58: {  	p0 =	sne.s32 s19, s6;
	[sflag:s15] =	ssyncset.done $0x0  }
.Ltmp1:
0x59: {  	[sflag:s15] =	ssyncadd.s32 $0xFFFFC000;
	(pc) =	sbr.rel @p0 .LBB2_1-.Ltmp1, $4  }
0x5a: {  	[hbm4b:s5+s2] =	stream.linear.scatter [tilespmem:s13], [sflag:$0x3], $0x4000, $0x38;
	[tilespmem:$0x8C80] =	vst v63  }
0x5b: {  	_ =	swait.ge [sflag:s11], $0x4000  }
0x5c: {  	[sflag:s11] =	ssyncset.done $0x0  }
0x5d: {  	[sflag:s11] =	ssyncadd.s32 $0xFFFFC000  }
0x5e: {  	_ =	sfence.sel $0x180000  }
0x5f: {  	[bflag:$0x0] =	sbarrier.arrive $0xFFFF  }
0x60: {  	p0 =	sne.s32 s0, $0x0;
	_ =	strace $0x90000050  }
0x61: {  	s0 =	sadd.s32 @!p0 $0x100000, s1;
	[bflag:$0x2] =	sbarrier.arrive $0xFFFF  }
0x62: {  	[sflag:s0] =	ssyncadd.tile.s32 @!p0 $0x1;
	_ =	shalt  }
.Lfunc_end2:
_tile_overlayer_lowered:
.L_overlay_start_2:
0x63: {  	(tag) =	ssettag $0x2  }
0x64: {  	s0 =	rddreg [dreg:$0x0];
	s2 =	stileid.u32  }
0x65: {  	s1 =	rddreg [dreg:$0x1];
	p0 =	sne.s32 s2, $0x0  }
0x66: {  	s3 =	rddreg [dreg:$0x2];
	[bflag:$0x3] =	sbarrier.arrive $0xFFFF;
	s2 =	simm.s32 @!p0 $0x1C03  }
0x67: {  	[timem:s3], [sflag:s2] =	dma.local @!p0 [hbm:s0], s1  }
0x68: {  	s0 =	simm.s32 @!p0 $0x3  }
0x69: {  	_ =	swait.ge @!p0 [sflag:s0], s1  }
0x6a: {  	s1 =	ssub.s32 @!p0 $0x0, s1;
	[sflag:s0] =	ssyncset.done @!p0 $0x0  }
0x6b: {  	[sflag:s0] =	ssyncadd.s32 @!p0 s1  }
0x6c: {  	[bflag:$0x3] =	sbarrier.arrive $0xFFFF  }
0x6d: {  	_ =	shalt  }

</sc_bundles>
